<compile_context>
chip_gen: v7x
topology: tpu7x:2x2x1
jax: 0.10.2.dev20260603
libtpu: 0.0.44.dev20260713+nightly
codegen_flags: <defaults>
</compile_context>

<pallas_src>
import functools

import jax
import jax.numpy as jnp
from jax import lax
from jax.experimental import pallas as pl
from jax.experimental.pallas import tpu as pltpu
from jax.experimental.pallas import tpu_sc as plsc

_N = 16384
_C = 1000
_HC = 1024
_NW = 32
_RW = _N // _NW


def _sc_alpha_body(t2_hbm, ag_hbm, hist_hbm, tgth_v, tgt2_v, ones_v,
                   zero_v, htg_v, ag_v, hist_sh):
    c = lax.axis_index("c")
    s = lax.axis_index("s")
    w = s * 2 + c

    for i in range(8):
        ones_v[pl.ds(i * 16, 16)] = jnp.ones((16,), jnp.float32)
    for i in range(64):
        zero_v[pl.ds(i * 16, 16)] = jnp.zeros((16,), jnp.float32)

    pltpu.sync_copy(t2_hbm.at[w], tgt2_v)

    @pl.when(s == 0)
    def _():
        pltpu.sync_copy(zero_v, hist_sh)

    plsc.subcore_barrier()
    for k in range(2):
        pltpu.sync_copy(t2_hbm.at[2 * s + k], tgth_v)
        for q in range(4):
            pltpu.sync_copy(ones_v, hist_sh.at[tgth_v.at[q]], add=True)
    plsc.subcore_barrier()

    @pl.when(s == 0)
    def _():
        pltpu.sync_copy(hist_sh, hist_hbm.at[c])

    plsc.subcore_barrier()

    for q in range(4):
        pltpu.sync_copy(hist_sh.at[tgt2_v.at[q]],
                        htg_v.at[pl.ds(q * 128, 128)])
    inv_n = 1.0 / _N
    for j in range(_RW // 16):
        ht16 = htg_v[pl.ds(j * 16, 16)]
        a16 = 1.0 / (ht16 * inv_n + 1e-5)
        ag_v[pl.ds(j * 16, 16)] = a16
    pltpu.sync_copy(ag_v, ag_hbm.at[w])


def _sc_alpha(targets):
    t2 = targets.reshape(_NW, 4, 128)
    mesh = plsc.VectorSubcoreMesh(core_axis_name="c", subcore_axis_name="s")
    fn = pl.kernel(
        _sc_alpha_body,
        out_type=[
            jax.ShapeDtypeStruct((_NW, _RW), jnp.float32),
            jax.ShapeDtypeStruct((2, _HC), jnp.float32),
        ],
        mesh=mesh,
        scratch_types=[
            pltpu.VMEM((4, 128), jnp.int32),
            pltpu.VMEM((4, 128), jnp.int32),
            pltpu.VMEM((128,), jnp.float32),
            pltpu.VMEM((_HC,), jnp.float32),
            pltpu.VMEM((_RW,), jnp.float32),
            pltpu.VMEM((_RW,), jnp.float32),
            pltpu.VMEM_SHARED((_HC,), jnp.float32),
        ],
    )
    ag, hist = fn(t2)
    return ag, hist


def _pass_a(x_ref, t_ref, nll_ref):
    i = pl.program_id(0)
    xt = x_ref[...]
    c, r = xt.shape
    t = t_ref[pl.ds(i, 1), :][0, :]
    lse = jnp.log(jnp.sum(jnp.exp(xt), axis=0))
    rows = jax.lax.broadcasted_iota(jnp.int32, (c, r), 0)
    maskf = (rows == t[None, :]).astype(jnp.float32)
    tl = jnp.sum(xt * maskf, axis=0)
    nll_ref[0, 0, :] = lse - tl


def _combine(nll_ref, ag_ref, hist_ref, out_ref):
    h = hist_ref[0, :]
    hcols = jax.lax.broadcasted_iota(jnp.int32, (1, _HC), 1)[0, :]
    a = 1.0 / (h * (1.0 / _N) + 1e-5)
    z = jnp.sum(jnp.where(hcols < _C, a, 0.0))
    ce = (ag_ref[...] * (1.0 / z)) * nll_ref[...]
    pt = jnp.exp(-ce)
    om = 1.0 - pt
    out_ref[...] = jnp.broadcast_to(jnp.sum(om * om * ce) * (1.0 / _N), (1, 1))


def kernel(inputs, targets):
    n, c = inputs.shape
    t32 = targets.astype(jnp.int32)

    ag, hist = _sc_alpha(t32)

    ra = 2048
    ga = n // ra
    t2d = t32.reshape(ga, ra)
    xt = inputs.T

    nll = pl.pallas_call(
        _pass_a,
        grid=(ga,),
        in_specs=[
            pl.BlockSpec((c, ra), lambda i: (0, i)),
            pl.BlockSpec((ga, ra), lambda i: (0, 0)),
        ],
        out_specs=pl.BlockSpec((1, 1, ra), lambda i: (i, 0, 0)),
        out_shape=jax.ShapeDtypeStruct((ga, 1, ra), jnp.float32),
    )(xt, t2d)

    loss = pl.pallas_call(
        _combine,
        in_specs=[
            pl.BlockSpec((128, 128), lambda: (0, 0)),
            pl.BlockSpec((128, 128), lambda: (0, 0)),
            pl.BlockSpec((1, _HC), lambda: (0, 0)),
        ],
        out_specs=pl.BlockSpec((1, 1), lambda: (0, 0)),
        out_shape=jax.ShapeDtypeStruct((1, 1), jnp.float32),
    )(nll.reshape(128, 128), ag.reshape(128, 128), hist[0:1])

    return loss[0, 0]

# --- scband reference (transcript-rebuilt; emitter-appended) ---
"""Pipeline reference for scband-balanced-focal-loss-39608188403941 (READ-ONLY COPY).

The authoritative reference and input builder live on the scoring server;
editing this copy changes nothing except your own understanding.
"""

import jax, jax.numpy as jnp
import numpy as np


def setup_inputs(seed: int = 0) -> dict:
    key = jax.random.key(seed)
    k1, k2 = jax.random.split(key)
    inputs = jax.random.normal(k1, (16384, 1000), dtype=jnp.float32)
    targets = jax.random.randint(k2, (16384,), 0, 1000, dtype=jnp.int64)
    return {"inputs": inputs, "targets": targets}


def reference(inputs, targets):
    gamma = 2.0
    n_classes = inputs.shape[1]
    # dynamic alpha from target histogram (torch.histc with integer labels == bincount)
    hist = jnp.bincount(targets, length=n_classes).astype(jnp.float32)
    freq = hist / hist.sum()
    alpha = 1.0 / (freq + 1e-05)
    alpha = alpha / alpha.sum()
    # F.cross_entropy(reduction='none', weight=alpha): per-sample weighted NLL (no weight renorm)
    logp = jax.nn.log_softmax(inputs, axis=1)
    nll = -jnp.take_along_axis(logp, targets[:, None], axis=1)[:, 0]
    ce_loss = alpha[targets] * nll
    pt = jnp.exp(-ce_loss)
    loss = (1.0 - pt) ** gamma * ce_loss
    return loss.mean()

if __name__ == "__main__":
    import jax
    _d = setup_inputs()
    print(jax.jit(kernel)(*tuple(_d.values())))

</pallas_src>

<mosaic_0001>
#map = affine_map<(d0, d1) -> (0, 0, 0)>
#map1 = affine_map<(d0, d1) -> (0, 0)>
module attributes {stable_mosaic.version = 14 : i64} {
  func.func @_sc_alpha_body(%arg0: i32, %arg1: i32, %arg2: memref<32x4x128xi32, #tpu.memory_space<hbm>>, %arg3: memref<32x512xf32, #tpu.memory_space<hbm>>, %arg4: memref<2x1024xf32, #tpu.memory_space<hbm>>, %arg5: memref<4x128xi32, #tpu.memory_space<vmem>>, %arg6: memref<4x128xi32, #tpu.memory_space<vmem>>, %arg7: memref<128xf32, #tpu.memory_space<vmem>>, %arg8: memref<1024xf32, #tpu.memory_space<vmem>>, %arg9: memref<512xf32, #tpu.memory_space<vmem>>, %arg10: memref<512xf32, #tpu.memory_space<vmem>>, %arg11: memref<1024xf32, #tpu.memory_space<vmem_shared>>) attributes {dimension_semantics = [#tpu.dimension_semantics<core_parallel>, #tpu.dimension_semantics<subcore_parallel>], iteration_bounds = array<i64: 2, 16>, scalar_prefetch = 0 : i64, scratch_operands = 7 : i64, tpu.core_type = #tpu.core_type<sc_vector_subcore>, window_params = [{transform_indices = #map}, {transform_indices = #map1}, {transform_indices = #map1}]} {
    %mul3A = arith.constant 2 : i32
    %mul3A_0 = arith.muli %arg1, %mul3A : i32
    %add3A = arith.addi %mul3A_0, %arg0 : i32
    %broadcast_in_dim3A = arith.constant 1.000000e+00 : f32
    %broadcast_in_dim3A_1 = vector.broadcast %broadcast_in_dim3A : f32 to vector<16xf32>
    %swap3A = arith.constant 0 : index
    %swap3A_2 = tpu.vector_load %arg7[%swap3A] {strides = array<i32>} : memref<128xf32, #tpu.memory_space<vmem>>, vector<16xf32>,
    %swap3A_3 = vector.shape_cast %swap3A_2 : vector<16xf32> to vector<16xf32>
    %swap3A_4 = vector.shape_cast %broadcast_in_dim3A_1 : vector<16xf32> to vector<16xf32>
    tpu.vector_store %arg7[%swap3A], %swap3A_4 {strides = array<i32>} : memref<128xf32, #tpu.memory_space<vmem>>, vector<16xf32>,
    %broadcast_in_dim3A_5 = arith.constant 1.000000e+00 : f32
    %broadcast_in_dim3A_6 = vector.broadcast %broadcast_in_dim3A_5 : f32 to vector<16xf32>
    %swap3A_7 = arith.constant 16 : index
    %swap3A_8 = tpu.vector_load %arg7[%swap3A_7] {strides = array<i32>} : memref<128xf32, #tpu.memory_space<vmem>>, vector<16xf32>,
    %swap3A_9 = vector.shape_cast %swap3A_8 : vector<16xf32> to vector<16xf32>
    %swap3A_10 = vector.shape_cast %broadcast_in_dim3A_6 : vector<16xf32> to vector<16xf32>
    tpu.vector_store %arg7[%swap3A_7], %swap3A_10 {strides = array<i32>} : memref<128xf32, #tpu.memory_space<vmem>>, vector<16xf32>,
    %broadcast_in_dim3A_11 = arith.constant 1.000000e+00 : f32
    %broadcast_in_dim3A_12 = vector.broadcast %broadcast_in_dim3A_11 : f32 to vector<16xf32>
    %swap3A_13 = arith.constant 32 : index
    %swap3A_14 = tpu.vector_load %arg7[%swap3A_13] {strides = array<i32>} : memref<128xf32, #tpu.memory_space<vmem>>, vector<16xf32>,
    %swap3A_15 = vector.shape_cast %swap3A_14 : vector<16xf32> to vector<16xf32>
    %swap3A_16 = vector.shape_cast %broadcast_in_dim3A_12 : vector<16xf32> to vector<16xf32>
    tpu.vector_store %arg7[%swap3A_13], %swap3A_16 {strides = array<i32>} : memref<128xf32, #tpu.memory_space<vmem>>, vector<16xf32>,
    %broadcast_in_dim3A_17 = arith.constant 1.000000e+00 : f32
    %broadcast_in_dim3A_18 = vector.broadcast %broadcast_in_dim3A_17 : f32 to vector<16xf32>
    %swap3A_19 = arith.constant 48 : index
    %swap3A_20 = tpu.vector_load %arg7[%swap3A_19] {strides = array<i32>} : memref<128xf32, #tpu.memory_space<vmem>>, vector<16xf32>,
    %swap3A_21 = vector.shape_cast %swap3A_20 : vector<16xf32> to vector<16xf32>
    %swap3A_22 = vector.shape_cast %broadcast_in_dim3A_18 : vector<16xf32> to vector<16xf32>
    tpu.vector_store %arg7[%swap3A_19], %swap3A_22 {strides = array<i32>} : memref<128xf32, #tpu.memory_space<vmem>>, vector<16xf32>,
    %broadcast_in_dim3A_23 = arith.constant 1.000000e+00 : f32
    %broadcast_in_dim3A_24 = vector.broadcast %broadcast_in_dim3A_23 : f32 to vector<16xf32>
    %swap3A_25 = arith.constant 64 : index
    %swap3A_26 = tpu.vector_load %arg7[%swap3A_25] {strides = array<i32>} : memref<128xf32, #tpu.memory_space<vmem>>, vector<16xf32>,
    %swap3A_27 = vector.shape_cast %swap3A_26 : vector<16xf32> to vector<16xf32>
    %swap3A_28 = vector.shape_cast %broadcast_in_dim3A_24 : vector<16xf32> to vector<16xf32>
    tpu.vector_store %arg7[%swap3A_25], %swap3A_28 {strides = array<i32>} : memref<128xf32, #tpu.memory_space<vmem>>, vector<16xf32>,
    %broadcast_in_dim3A_29 = arith.constant 1.000000e+00 : f32
    %broadcast_in_dim3A_30 = vector.broadcast %broadcast_in_dim3A_29 : f32 to vector<16xf32>
    %swap3A_31 = arith.constant 80 : index
    %swap3A_32 = tpu.vector_load %arg7[%swap3A_31] {strides = array<i32>} : memref<128xf32, #tpu.memory_space<vmem>>, vector<16xf32>,
    %swap3A_33 = vector.shape_cast %swap3A_32 : vector<16xf32> to vector<16xf32>
    %swap3A_34 = vector.shape_cast %broadcast_in_dim3A_30 : vector<16xf32> to vector<16xf32>
    tpu.vector_store %arg7[%swap3A_31], %swap3A_34 {strides = array<i32>} : memref<128xf32, #tpu.memory_space<vmem>>, vector<16xf32>,
    %broadcast_in_dim3A_35 = arith.constant 1.000000e+00 : f32
    %broadcast_in_dim3A_36 = vector.broadcast %broadcast_in_dim3A_35 : f32 to vector<16xf32>
    %swap3A_37 = arith.constant 96 : index
    %swap3A_38 = tpu.vector_load %arg7[%swap3A_37] {strides = array<i32>} : memref<128xf32, #tpu.memory_space<vmem>>, vector<16xf32>,
    %swap3A_39 = vector.shape_cast %swap3A_38 : vector<16xf32> to vector<16xf32>
    %swap3A_40 = vector.shape_cast %broadcast_in_dim3A_36 : vector<16xf32> to vector<16xf32>
    tpu.vector_store %arg7[%swap3A_37], %swap3A_40 {strides = array<i32>} : memref<128xf32, #tpu.memory_space<vmem>>, vector<16xf32>,
    %broadcast_in_dim3A_41 = arith.constant 1.000000e+00 : f32
    %broadcast_in_dim3A_42 = vector.broadcast %broadcast_in_dim3A_41 : f32 to vector<16xf32>
    %swap3A_43 = arith.constant 112 : index
    %swap3A_44 = tpu.vector_load %arg7[%swap3A_43] {strides = array<i32>} : memref<128xf32, #tpu.memory_space<vmem>>, vector<16xf32>,
    %swap3A_45 = vector.shape_cast %swap3A_44 : vector<16xf32> to vector<16xf32>
    %swap3A_46 = vector.shape_cast %broadcast_in_dim3A_42 : vector<16xf32> to vector<16xf32>
    tpu.vector_store %arg7[%swap3A_43], %swap3A_46 {strides = array<i32>} : memref<128xf32, #tpu.memory_space<vmem>>, vector<16xf32>,
    %broadcast_in_dim3A_47 = arith.constant 0.000000e+00 : f32
    %broadcast_in_dim3A_48 = vector.broadcast %broadcast_in_dim3A_47 : f32 to vector<16xf32>
    %swap3A_49 = arith.constant 0 : index
    %swap3A_50 = tpu.vector_load %arg8[%swap3A_49] {strides = array<i32>} : memref<1024xf32, #tpu.memory_space<vmem>>, vector<16xf32>,
    %swap3A_51 = vector.shape_cast %swap3A_50 : vector<16xf32> to vector<16xf32>
    %swap3A_52 = vector.shape_cast %broadcast_in_dim3A_48 : vector<16xf32> to vector<16xf32>
    tpu.vector_store %arg8[%swap3A_49], %swap3A_52 {strides = array<i32>} : memref<1024xf32, #tpu.memory_space<vmem>>, vector<16xf32>,
    %broadcast_in_dim3A_53 = arith.constant 0.000000e+00 : f32
    %broadcast_in_dim3A_54 = vector.broadcast %broadcast_in_dim3A_53 : f32 to vector<16xf32>
    %swap3A_55 = arith.constant 16 : index
    %swap3A_56 = tpu.vector_load %arg8[%swap3A_55] {strides = array<i32>} : memref<1024xf32, #tpu.memory_space<vmem>>, vector<16xf32>,
    %swap3A_57 = vector.shape_cast %swap3A_56 : vector<16xf32> to vector<16xf32>
    %swap3A_58 = vector.shape_cast %broadcast_in_dim3A_54 : vector<16xf32> to vector<16xf32>
    tpu.vector_store %arg8[%swap3A_55], %swap3A_58 {strides = array<i32>} : memref<1024xf32, #tpu.memory_space<vmem>>, vector<16xf32>,
    %broadcast_in_dim3A_59 = arith.constant 0.000000e+00 : f32
    %broadcast_in_dim3A_60 = vector.broadcast %broadcast_in_dim3A_59 : f32 to vector<16xf32>
    %swap3A_61 = arith.constant 32 : index
    %swap3A_62 = tpu.vector_load %arg8[%swap3A_61] {strides = array<i32>} : memref<1024xf32, #tpu.memory_space<vmem>>, vector<16xf32>,
    %swap3A_63 = vector.shape_cast %swap3A_62 : vector<16xf32> to vector<16xf32>
    %swap3A_64 = vector.shape_cast %broadcast_in_dim3A_60 : vector<16xf32> to vector<16xf32>
    tpu.vector_store %arg8[%swap3A_61], %swap3A_64 {strides = array<i32>} : memref<1024xf32, #tpu.memory_space<vmem>>, vector<16xf32>,
    %broadcast_in_dim3A_65 = arith.constant 0.000000e+00 : f32
    %broadcast_in_dim3A_66 = vector.broadcast %broadcast_in_dim3A_65 : f32 to vector<16xf32>
    %swap3A_67 = arith.constant 48 : index
    %swap3A_68 = tpu.vector_load %arg8[%swap3A_67] {strides = array<i32>} : memref<1024xf32, #tpu.memory_space<vmem>>, vector<16xf32>,
    %swap3A_69 = vector.shape_cast %swap3A_68 : vector<16xf32> to vector<16xf32>
    %swap3A_70 = vector.shape_cast %broadcast_in_dim3A_66 : vector<16xf32> to vector<16xf32>
    tpu.vector_store %arg8[%swap3A_67], %swap3A_70 {strides = array<i32>} : memref<1024xf32, #tpu.memory_space<vmem>>, vector<16xf32>,
    %broadcast_in_dim3A_71 = arith.constant 0.000000e+00 : f32
    %broadcast_in_dim3A_72 = vector.broadcast %broadcast_in_dim3A_71 : f32 to vector<16xf32>
    %swap3A_73 = arith.constant 64 : index
    %swap3A_74 = tpu.vector_load %arg8[%swap3A_73] {strides = array<i32>} : memref<1024xf32, #tpu.memory_space<vmem>>, vector<16xf32>,
    %swap3A_75 = vector.shape_cast %swap3A_74 : vector<16xf32> to vector<16xf32>
    %swap3A_76 = vector.shape_cast %broadcast_in_dim3A_72 : vector<16xf32> to vector<16xf32>
    tpu.vector_store %arg8[%swap3A_73], %swap3A_76 {strides = array<i32>} : memref<1024xf32, #tpu.memory_space<vmem>>, vector<16xf32>,
    %broadcast_in_dim3A_77 = arith.constant 0.000000e+00 : f32
    %broadcast_in_dim3A_78 = vector.broadcast %broadcast_in_dim3A_77 : f32 to vector<16xf32>
    %swap3A_79 = arith.constant 80 : index
    %swap3A_80 = tpu.vector_load %arg8[%swap3A_79] {strides = array<i32>} : memref<1024xf32, #tpu.memory_space<vmem>>, vector<16xf32>,
    %swap3A_81 = vector.shape_cast %swap3A_80 : vector<16xf32> to vector<16xf32>
    %swap3A_82 = vector.shape_cast %broadcast_in_dim3A_78 : vector<16xf32> to vector<16xf32>
    tpu.vector_store %arg8[%swap3A_79], %swap3A_82 {strides = array<i32>} : memref<1024xf32, #tpu.memory_space<vmem>>, vector<16xf32>,
    %broadcast_in_dim3A_83 = arith.constant 0.000000e+00 : f32
    %broadcast_in_dim3A_84 = vector.broadcast %broadcast_in_dim3A_83 : f32 to vector<16xf32>
    %swap3A_85 = arith.constant 96 : index
    %swap3A_86 = tpu.vector_load %arg8[%swap3A_85] {strides = array<i32>} : memref<1024xf32, #tpu.memory_space<vmem>>, vector<16xf32>,
    %swap3A_87 = vector.shape_cast %swap3A_86 : vector<16xf32> to vector<16xf32>
    %swap3A_88 = vector.shape_cast %broadcast_in_dim3A_84 : vector<16xf32> to vector<16xf32>
    tpu.vector_store %arg8[%swap3A_85], %swap3A_88 {strides = array<i32>} : memref<1024xf32, #tpu.memory_space<vmem>>, vector<16xf32>,
    %broadcast_in_dim3A_89 = arith.constant 0.000000e+00 : f32
    %broadcast_in_dim3A_90 = vector.broadcast %broadcast_in_dim3A_89 : f32 to vector<16xf32>
    %swap3A_91 = arith.constant 112 : index
    %swap3A_92 = tpu.vector_load %arg8[%swap3A_91] {strides = array<i32>} : memref<1024xf32, #tpu.memory_space<vmem>>, vector<16xf32>,
    %swap3A_93 = vector.shape_cast %swap3A_92 : vector<16xf32> to vector<16xf32>
    %swap3A_94 = vector.shape_cast %broadcast_in_dim3A_90 : vector<16xf32> to vector<16xf32>
    tpu.vector_store %arg8[%swap3A_91], %swap3A_94 {strides = array<i32>} : memref<1024xf32, #tpu.memory_space<vmem>>, vector<16xf32>,
    %broadcast_in_dim3A_95 = arith.constant 0.000000e+00 : f32
    %broadcast_in_dim3A_96 = vector.broadcast %broadcast_in_dim3A_95 : f32 to vector<16xf32>
    %swap3A_97 = arith.constant 128 : index
    %swap3A_98 = tpu.vector_load %arg8[%swap3A_97] {strides = array<i32>} : memref<1024xf32, #tpu.memory_space<vmem>>, vector<16xf32>,
    %swap3A_99 = vector.shape_cast %swap3A_98 : vector<16xf32> to vector<16xf32>
    %swap3A_100 = vector.shape_cast %broadcast_in_dim3A_96 : vector<16xf32> to vector<16xf32>
    tpu.vector_store %arg8[%swap3A_97], %swap3A_100 {strides = array<i32>} : memref<1024xf32, #tpu.memory_space<vmem>>, vector<16xf32>,
    %broadcast_in_dim3A_101 = arith.constant 0.000000e+00 : f32
    %broadcast_in_dim3A_102 = vector.broadcast %broadcast_in_dim3A_101 : f32 to vector<16xf32>
    %swap3A_103 = arith.constant 144 : index
    %swap3A_104 = tpu.vector_load %arg8[%swap3A_103] {strides = array<i32>} : memref<1024xf32, #tpu.memory_space<vmem>>, vector<16xf32>,
    %swap3A_105 = vector.shape_cast %swap3A_104 : vector<16xf32> to vector<16xf32>
    %swap3A_106 = vector.shape_cast %broadcast_in_dim3A_102 : vector<16xf32> to vector<16xf32>
    tpu.vector_store %arg8[%swap3A_103], %swap3A_106 {strides = array<i32>} : memref<1024xf32, #tpu.memory_space<vmem>>, vector<16xf32>,
    %broadcast_in_dim3A_107 = arith.constant 0.000000e+00 : f32
    %broadcast_in_dim3A_108 = vector.broadcast %broadcast_in_dim3A_107 : f32 to vector<16xf32>
    %swap3A_109 = arith.constant 160 : index
    %swap3A_110 = tpu.vector_load %arg8[%swap3A_109] {strides = array<i32>} : memref<1024xf32, #tpu.memory_space<vmem>>, vector<16xf32>,
    %swap3A_111 = vector.shape_cast %swap3A_110 : vector<16xf32> to vector<16xf32>
    %swap3A_112 = vector.shape_cast %broadcast_in_dim3A_108 : vector<16xf32> to vector<16xf32>
    tpu.vector_store %arg8[%swap3A_109], %swap3A_112 {strides = array<i32>} : memref<1024xf32, #tpu.memory_space<vmem>>, vector<16xf32>,
    %broadcast_in_dim3A_113 = arith.constant 0.000000e+00 : f32
    %broadcast_in_dim3A_114 = vector.broadcast %broadcast_in_dim3A_113 : f32 to vector<16xf32>
    %swap3A_115 = arith.constant 176 : index
    %swap3A_116 = tpu.vector_load %arg8[%swap3A_115] {strides = array<i32>} : memref<1024xf32, #tpu.memory_space<vmem>>, vector<16xf32>,
    %swap3A_117 = vector.shape_cast %swap3A_116 : vector<16xf32> to vector<16xf32>
    %swap3A_118 = vector.shape_cast %broadcast_in_dim3A_114 : vector<16xf32> to vector<16xf32>
    tpu.vector_store %arg8[%swap3A_115], %swap3A_118 {strides = array<i32>} : memref<1024xf32, #tpu.memory_space<vmem>>, vector<16xf32>,
    %broadcast_in_dim3A_119 = arith.constant 0.000000e+00 : f32
    %broadcast_in_dim3A_120 = vector.broadcast %broadcast_in_dim3A_119 : f32 to vector<16xf32>
    %swap3A_121 = arith.constant 192 : index
    %swap3A_122 = tpu.vector_load %arg8[%swap3A_121] {strides = array<i32>} : memref<1024xf32, #tpu.memory_space<vmem>>, vector<16xf32>,
    %swap3A_123 = vector.shape_cast %swap3A_122 : vector<16xf32> to vector<16xf32>
    %swap3A_124 = vector.shape_cast %broadcast_in_dim3A_120 : vector<16xf32> to vector<16xf32>
    tpu.vector_store %arg8[%swap3A_121], %swap3A_124 {strides = array<i32>} : memref<1024xf32, #tpu.memory_space<vmem>>, vector<16xf32>,
    %broadcast_in_dim3A_125 = arith.constant 0.000000e+00 : f32
    %broadcast_in_dim3A_126 = vector.broadcast %broadcast_in_dim3A_125 : f32 to vector<16xf32>
    %swap3A_127 = arith.constant 208 : index
    %swap3A_128 = tpu.vector_load %arg8[%swap3A_127] {strides = array<i32>} : memref<1024xf32, #tpu.memory_space<vmem>>, vector<16xf32>,
    %swap3A_129 = vector.shape_cast %swap3A_128 : vector<16xf32> to vector<16xf32>
    %swap3A_130 = vector.shape_cast %broadcast_in_dim3A_126 : vector<16xf32> to vector<16xf32>
    tpu.vector_store %arg8[%swap3A_127], %swap3A_130 {strides = array<i32>} : memref<1024xf32, #tpu.memory_space<vmem>>, vector<16xf32>,
    %broadcast_in_dim3A_131 = arith.constant 0.000000e+00 : f32
    %broadcast_in_dim3A_132 = vector.broadcast %broadcast_in_dim3A_131 : f32 to vector<16xf32>
    %swap3A_133 = arith.constant 224 : index
    %swap3A_134 = tpu.vector_load %arg8[%swap3A_133] {strides = array<i32>} : memref<1024xf32, #tpu.memory_space<vmem>>, vector<16xf32>,
    %swap3A_135 = vector.shape_cast %swap3A_134 : vector<16xf32> to vector<16xf32>
    %swap3A_136 = vector.shape_cast %broadcast_in_dim3A_132 : vector<16xf32> to vector<16xf32>
    tpu.vector_store %arg8[%swap3A_133], %swap3A_136 {strides = array<i32>} : memref<1024xf32, #tpu.memory_space<vmem>>, vector<16xf32>,
    %broadcast_in_dim3A_137 = arith.constant 0.000000e+00 : f32
    %broadcast_in_dim3A_138 = vector.broadcast %broadcast_in_dim3A_137 : f32 to vector<16xf32>
    %swap3A_139 = arith.constant 240 : index
    %swap3A_140 = tpu.vector_load %arg8[%swap3A_139] {strides = array<i32>} : memref<1024xf32, #tpu.memory_space<vmem>>, vector<16xf32>,
    %swap3A_141 = vector.shape_cast %swap3A_140 : vector<16xf32> to vector<16xf32>
    %swap3A_142 = vector.shape_cast %broadcast_in_dim3A_138 : vector<16xf32> to vector<16xf32>
    tpu.vector_store %arg8[%swap3A_139], %swap3A_142 {strides = array<i32>} : memref<1024xf32, #tpu.memory_space<vmem>>, vector<16xf32>,
    %broadcast_in_dim3A_143 = arith.constant 0.000000e+00 : f32
    %broadcast_in_dim3A_144 = vector.broadcast %broadcast_in_dim3A_143 : f32 to vector<16xf32>
    %swap3A_145 = arith.constant 256 : index
    %swap3A_146 = tpu.vector_load %arg8[%swap3A_145] {strides = array<i32>} : memref<1024xf32, #tpu.memory_space<vmem>>, vector<16xf32>,
    %swap3A_147 = vector.shape_cast %swap3A_146 : vector<16xf32> to vector<16xf32>
    %swap3A_148 = vector.shape_cast %broadcast_in_dim3A_144 : vector<16xf32> to vector<16xf32>
    tpu.vector_store %arg8[%swap3A_145], %swap3A_148 {strides = array<i32>} : memref<1024xf32, #tpu.memory_space<vmem>>, vector<16xf32>,
    %broadcast_in_dim3A_149 = arith.constant 0.000000e+00 : f32
    %broadcast_in_dim3A_150 = vector.broadcast %broadcast_in_dim3A_149 : f32 to vector<16xf32>
    %swap3A_151 = arith.constant 272 : index
    %swap3A_152 = tpu.vector_load %arg8[%swap3A_151] {strides = array<i32>} : memref<1024xf32, #tpu.memory_space<vmem>>, vector<16xf32>,
    %swap3A_153 = vector.shape_cast %swap3A_152 : vector<16xf32> to vector<16xf32>
    %swap3A_154 = vector.shape_cast %broadcast_in_dim3A_150 : vector<16xf32> to vector<16xf32>
    tpu.vector_store %arg8[%swap3A_151], %swap3A_154 {strides = array<i32>} : memref<1024xf32, #tpu.memory_space<vmem>>, vector<16xf32>,
    %broadcast_in_dim3A_155 = arith.constant 0.000000e+00 : f32
    %broadcast_in_dim3A_156 = vector.broadcast %broadcast_in_dim3A_155 : f32 to vector<16xf32>
    %swap3A_157 = arith.constant 288 : index
    %swap3A_158 = tpu.vector_load %arg8[%swap3A_157] {strides = array<i32>} : memref<1024xf32, #tpu.memory_space<vmem>>, vector<16xf32>,
    %swap3A_159 = vector.shape_cast %swap3A_158 : vector<16xf32> to vector<16xf32>
    %swap3A_160 = vector.shape_cast %broadcast_in_dim3A_156 : vector<16xf32> to vector<16xf32>
    tpu.vector_store %arg8[%swap3A_157], %swap3A_160 {strides = array<i32>} : memref<1024xf32, #tpu.memory_space<vmem>>, vector<16xf32>,
    %broadcast_in_dim3A_161 = arith.constant 0.000000e+00 : f32
    %broadcast_in_dim3A_162 = vector.broadcast %broadcast_in_dim3A_161 : f32 to vector<16xf32>
    %swap3A_163 = arith.constant 304 : index
    %swap3A_164 = tpu.vector_load %arg8[%swap3A_163] {strides = array<i32>} : memref<1024xf32, #tpu.memory_space<vmem>>, vector<16xf32>,
    %swap3A_165 = vector.shape_cast %swap3A_164 : vector<16xf32> to vector<16xf32>
    %swap3A_166 = vector.shape_cast %broadcast_in_dim3A_162 : vector<16xf32> to vector<16xf32>
    tpu.vector_store %arg8[%swap3A_163], %swap3A_166 {strides = array<i32>} : memref<1024xf32, #tpu.memory_space<vmem>>, vector<16xf32>,
    %broadcast_in_dim3A_167 = arith.constant 0.000000e+00 : f32
    %broadcast_in_dim3A_168 = vector.broadcast %broadcast_in_dim3A_167 : f32 to vector<16xf32>
    %swap3A_169 = arith.constant 320 : index
    %swap3A_170 = tpu.vector_load %arg8[%swap3A_169] {strides = array<i32>} : memref<1024xf32, #tpu.memory_space<vmem>>, vector<16xf32>,
    %swap3A_171 = vector.shape_cast %swap3A_170 : vector<16xf32> to vector<16xf32>
    %swap3A_172 = vector.shape_cast %broadcast_in_dim3A_168 : vector<16xf32> to vector<16xf32>
    tpu.vector_store %arg8[%swap3A_169], %swap3A_172 {strides = array<i32>} : memref<1024xf32, #tpu.memory_space<vmem>>, vector<16xf32>,
    %broadcast_in_dim3A_173 = arith.constant 0.000000e+00 : f32
    %broadcast_in_dim3A_174 = vector.broadcast %broadcast_in_dim3A_173 : f32 to vector<16xf32>
    %swap3A_175 = arith.constant 336 : index
    %swap3A_176 = tpu.vector_load %arg8[%swap3A_175] {strides = array<i32>} : memref<1024xf32, #tpu.memory_space<vmem>>, vector<16xf32>,
    %swap3A_177 = vector.shape_cast %swap3A_176 : vector<16xf32> to vector<16xf32>
    %swap3A_178 = vector.shape_cast %broadcast_in_dim3A_174 : vector<16xf32> to vector<16xf32>
    tpu.vector_store %arg8[%swap3A_175], %swap3A_178 {strides = array<i32>} : memref<1024xf32, #tpu.memory_space<vmem>>, vector<16xf32>,
    %broadcast_in_dim3A_179 = arith.constant 0.000000e+00 : f32
    %broadcast_in_dim3A_180 = vector.broadcast %broadcast_in_dim3A_179 : f32 to vector<16xf32>
    %swap3A_181 = arith.constant 352 : index
    %swap3A_182 = tpu.vector_load %arg8[%swap3A_181] {strides = array<i32>} : memref<1024xf32, #tpu.memory_space<vmem>>, vector<16xf32>,
    %swap3A_183 = vector.shape_cast %swap3A_182 : vector<16xf32> to vector<16xf32>
    %swap3A_184 = vector.shape_cast %broadcast_in_dim3A_180 : vector<16xf32> to vector<16xf32>
    tpu.vector_store %arg8[%swap3A_181], %swap3A_184 {strides = array<i32>} : memref<1024xf32, #tpu.memory_space<vmem>>, vector<16xf32>,
    %broadcast_in_dim3A_185 = arith.constant 0.000000e+00 : f32
    %broadcast_in_dim3A_186 = vector.broadcast %broadcast_in_dim3A_185 : f32 to vector<16xf32>
    %swap3A_187 = arith.constant 368 : index
    %swap3A_188 = tpu.vector_load %arg8[%swap3A_187] {strides = array<i32>} : memref<1024xf32, #tpu.memory_space<vmem>>, vector<16xf32>,
    %swap3A_189 = vector.shape_cast %swap3A_188 : vector<16xf32> to vector<16xf32>
    %swap3A_190 = vector.shape_cast %broadcast_in_dim3A_186 : vector<16xf32> to vector<16xf32>
    tpu.vector_store %arg8[%swap3A_187], %swap3A_190 {strides = array<i32>} : memref<1024xf32, #tpu.memory_space<vmem>>, vector<16xf32>,
    %broadcast_in_dim3A_191 = arith.constant 0.000000e+00 : f32
    %broadcast_in_dim3A_192 = vector.broadcast %broadcast_in_dim3A_191 : f32 to vector<16xf32>
    %swap3A_193 = arith.constant 384 : index
    %swap3A_194 = tpu.vector_load %arg8[%swap3A_193] {strides = array<i32>} : memref<1024xf32, #tpu.memory_space<vmem>>, vector<16xf32>,
    %swap3A_195 = vector.shape_cast %swap3A_194 : vector<16xf32> to vector<16xf32>
    %swap3A_196 = vector.shape_cast %broadcast_in_dim3A_192 : vector<16xf32> to vector<16xf32>
    tpu.vector_store %arg8[%swap3A_193], %swap3A_196 {strides = array<i32>} : memref<1024xf32, #tpu.memory_space<vmem>>, vector<16xf32>,
    %broadcast_in_dim3A_197 = arith.constant 0.000000e+00 : f32
    %broadcast_in_dim3A_198 = vector.broadcast %broadcast_in_dim3A_197 : f32 to vector<16xf32>
    %swap3A_199 = arith.constant 400 : index
    %swap3A_200 = tpu.vector_load %arg8[%swap3A_199] {strides = array<i32>} : memref<1024xf32, #tpu.memory_space<vmem>>, vector<16xf32>,
    %swap3A_201 = vector.shape_cast %swap3A_200 : vector<16xf32> to vector<16xf32>
    %swap3A_202 = vector.shape_cast %broadcast_in_dim3A_198 : vector<16xf32> to vector<16xf32>
    tpu.vector_store %arg8[%swap3A_199], %swap3A_202 {strides = array<i32>} : memref<1024xf32, #tpu.memory_space<vmem>>, vector<16xf32>,
    %broadcast_in_dim3A_203 = arith.constant 0.000000e+00 : f32
    %broadcast_in_dim3A_204 = vector.broadcast %broadcast_in_dim3A_203 : f32 to vector<16xf32>
    %swap3A_205 = arith.constant 416 : index
    %swap3A_206 = tpu.vector_load %arg8[%swap3A_205] {strides = array<i32>} : memref<1024xf32, #tpu.memory_space<vmem>>, vector<16xf32>,
    %swap3A_207 = vector.shape_cast %swap3A_206 : vector<16xf32> to vector<16xf32>
    %swap3A_208 = vector.shape_cast %broadcast_in_dim3A_204 : vector<16xf32> to vector<16xf32>
    tpu.vector_store %arg8[%swap3A_205], %swap3A_208 {strides = array<i32>} : memref<1024xf32, #tpu.memory_space<vmem>>, vector<16xf32>,
    %broadcast_in_dim3A_209 = arith.constant 0.000000e+00 : f32
    %broadcast_in_dim3A_210 = vector.broadcast %broadcast_in_dim3A_209 : f32 to vector<16xf32>
    %swap3A_211 = arith.constant 432 : index
    %swap3A_212 = tpu.vector_load %arg8[%swap3A_211] {strides = array<i32>} : memref<1024xf32, #tpu.memory_space<vmem>>, vector<16xf32>,
    %swap3A_213 = vector.shape_cast %swap3A_212 : vector<16xf32> to vector<16xf32>
    %swap3A_214 = vector.shape_cast %broadcast_in_dim3A_210 : vector<16xf32> to vector<16xf32>
    tpu.vector_store %arg8[%swap3A_211], %swap3A_214 {strides = array<i32>} : memref<1024xf32, #tpu.memory_space<vmem>>, vector<16xf32>,
    %broadcast_in_dim3A_215 = arith.constant 0.000000e+00 : f32
    %broadcast_in_dim3A_216 = vector.broadcast %broadcast_in_dim3A_215 : f32 to vector<16xf32>
    %swap3A_217 = arith.constant 448 : index
    %swap3A_218 = tpu.vector_load %arg8[%swap3A_217] {strides = array<i32>} : memref<1024xf32, #tpu.memory_space<vmem>>, vector<16xf32>,
    %swap3A_219 = vector.shape_cast %swap3A_218 : vector<16xf32> to vector<16xf32>
    %swap3A_220 = vector.shape_cast %broadcast_in_dim3A_216 : vector<16xf32> to vector<16xf32>
    tpu.vector_store %arg8[%swap3A_217], %swap3A_220 {strides = array<i32>} : memref<1024xf32, #tpu.memory_space<vmem>>, vector<16xf32>,
    %broadcast_in_dim3A_221 = arith.constant 0.000000e+00 : f32
    %broadcast_in_dim3A_222 = vector.broadcast %broadcast_in_dim3A_221 : f32 to vector<16xf32>
    %swap3A_223 = arith.constant 464 : index
    %swap3A_224 = tpu.vector_load %arg8[%swap3A_223] {strides = array<i32>} : memref<1024xf32, #tpu.memory_space<vmem>>, vector<16xf32>,
    %swap3A_225 = vector.shape_cast %swap3A_224 : vector<16xf32> to vector<16xf32>
    %swap3A_226 = vector.shape_cast %broadcast_in_dim3A_222 : vector<16xf32> to vector<16xf32>
    tpu.vector_store %arg8[%swap3A_223], %swap3A_226 {strides = array<i32>} : memref<1024xf32, #tpu.memory_space<vmem>>, vector<16xf32>,
    %broadcast_in_dim3A_227 = arith.constant 0.000000e+00 : f32
    %broadcast_in_dim3A_228 = vector.broadcast %broadcast_in_dim3A_227 : f32 to vector<16xf32>
    %swap3A_229 = arith.constant 480 : index
    %swap3A_230 = tpu.vector_load %arg8[%swap3A_229] {strides = array<i32>} : memref<1024xf32, #tpu.memory_space<vmem>>, vector<16xf32>,
    %swap3A_231 = vector.shape_cast %swap3A_230 : vector<16xf32> to vector<16xf32>
    %swap3A_232 = vector.shape_cast %broadcast_in_dim3A_228 : vector<16xf32> to vector<16xf32>
    tpu.vector_store %arg8[%swap3A_229], %swap3A_232 {strides = array<i32>} : memref<1024xf32, #tpu.memory_space<vmem>>, vector<16xf32>,
    %broadcast_in_dim3A_233 = arith.constant 0.000000e+00 : f32
    %broadcast_in_dim3A_234 = vector.broadcast %broadcast_in_dim3A_233 : f32 to vector<16xf32>
    %swap3A_235 = arith.constant 496 : index
    %swap3A_236 = tpu.vector_load %arg8[%swap3A_235] {strides = array<i32>} : memref<1024xf32, #tpu.memory_space<vmem>>, vector<16xf32>,
    %swap3A_237 = vector.shape_cast %swap3A_236 : vector<16xf32> to vector<16xf32>
    %swap3A_238 = vector.shape_cast %broadcast_in_dim3A_234 : vector<16xf32> to vector<16xf32>
    tpu.vector_store %arg8[%swap3A_235], %swap3A_238 {strides = array<i32>} : memref<1024xf32, #tpu.memory_space<vmem>>, vector<16xf32>,
    %broadcast_in_dim3A_239 = arith.constant 0.000000e+00 : f32
    %broadcast_in_dim3A_240 = vector.broadcast %broadcast_in_dim3A_239 : f32 to vector<16xf32>
    %swap3A_241 = arith.constant 512 : index
    %swap3A_242 = tpu.vector_load %arg8[%swap3A_241] {strides = array<i32>} : memref<1024xf32, #tpu.memory_space<vmem>>, vector<16xf32>,
    %swap3A_243 = vector.shape_cast %swap3A_242 : vector<16xf32> to vector<16xf32>
    %swap3A_244 = vector.shape_cast %broadcast_in_dim3A_240 : vector<16xf32> to vector<16xf32>
    tpu.vector_store %arg8[%swap3A_241], %swap3A_244 {strides = array<i32>} : memref<1024xf32, #tpu.memory_space<vmem>>, vector<16xf32>,
    %broadcast_in_dim3A_245 = arith.constant 0.000000e+00 : f32
    %broadcast_in_dim3A_246 = vector.broadcast %broadcast_in_dim3A_245 : f32 to vector<16xf32>
    %swap3A_247 = arith.constant 528 : index
    %swap3A_248 = tpu.vector_load %arg8[%swap3A_247] {strides = array<i32>} : memref<1024xf32, #tpu.memory_space<vmem>>, vector<16xf32>,
    %swap3A_249 = vector.shape_cast %swap3A_248 : vector<16xf32> to vector<16xf32>
    %swap3A_250 = vector.shape_cast %broadcast_in_dim3A_246 : vector<16xf32> to vector<16xf32>
    tpu.vector_store %arg8[%swap3A_247], %swap3A_250 {strides = array<i32>} : memref<1024xf32, #tpu.memory_space<vmem>>, vector<16xf32>,
    %broadcast_in_dim3A_251 = arith.constant 0.000000e+00 : f32
    %broadcast_in_dim3A_252 = vector.broadcast %broadcast_in_dim3A_251 : f32 to vector<16xf32>
    %swap3A_253 = arith.constant 544 : index
    %swap3A_254 = tpu.vector_load %arg8[%swap3A_253] {strides = array<i32>} : memref<1024xf32, #tpu.memory_space<vmem>>, vector<16xf32>,
    %swap3A_255 = vector.shape_cast %swap3A_254 : vector<16xf32> to vector<16xf32>
    %swap3A_256 = vector.shape_cast %broadcast_in_dim3A_252 : vector<16xf32> to vector<16xf32>
    tpu.vector_store %arg8[%swap3A_253], %swap3A_256 {strides = array<i32>} : memref<1024xf32, #tpu.memory_space<vmem>>, vector<16xf32>,
    %broadcast_in_dim3A_257 = arith.constant 0.000000e+00 : f32
    %broadcast_in_dim3A_258 = vector.broadcast %broadcast_in_dim3A_257 : f32 to vector<16xf32>
    %swap3A_259 = arith.constant 560 : index
    %swap3A_260 = tpu.vector_load %arg8[%swap3A_259] {strides = array<i32>} : memref<1024xf32, #tpu.memory_space<vmem>>, vector<16xf32>,
    %swap3A_261 = vector.shape_cast %swap3A_260 : vector<16xf32> to vector<16xf32>
    %swap3A_262 = vector.shape_cast %broadcast_in_dim3A_258 : vector<16xf32> to vector<16xf32>
    tpu.vector_store %arg8[%swap3A_259], %swap3A_262 {strides = array<i32>} : memref<1024xf32, #tpu.memory_space<vmem>>, vector<16xf32>,
    %broadcast_in_dim3A_263 = arith.constant 0.000000e+00 : f32
    %broadcast_in_dim3A_264 = vector.broadcast %broadcast_in_dim3A_263 : f32 to vector<16xf32>
    %swap3A_265 = arith.constant 576 : index
    %swap3A_266 = tpu.vector_load %arg8[%swap3A_265] {strides = array<i32>} : memref<1024xf32, #tpu.memory_space<vmem>>, vector<16xf32>,
    %swap3A_267 = vector.shape_cast %swap3A_266 : vector<16xf32> to vector<16xf32>
    %swap3A_268 = vector.shape_cast %broadcast_in_dim3A_264 : vector<16xf32> to vector<16xf32>
    tpu.vector_store %arg8[%swap3A_265], %swap3A_268 {strides = array<i32>} : memref<1024xf32, #tpu.memory_space<vmem>>, vector<16xf32>,
    %broadcast_in_dim3A_269 = arith.constant 0.000000e+00 : f32
    %broadcast_in_dim3A_270 = vector.broadcast %broadcast_in_dim3A_269 : f32 to vector<16xf32>
    %swap3A_271 = arith.constant 592 : index
    %swap3A_272 = tpu.vector_load %arg8[%swap3A_271] {strides = array<i32>} : memref<1024xf32, #tpu.memory_space<vmem>>, vector<16xf32>,
    %swap3A_273 = vector.shape_cast %swap3A_272 : vector<16xf32> to vector<16xf32>
    %swap3A_274 = vector.shape_cast %broadcast_in_dim3A_270 : vector<16xf32> to vector<16xf32>
    tpu.vector_store %arg8[%swap3A_271], %swap3A_274 {strides = array<i32>} : memref<1024xf32, #tpu.memory_space<vmem>>, vector<16xf32>,
    %broadcast_in_dim3A_275 = arith.constant 0.000000e+00 : f32
    %broadcast_in_dim3A_276 = vector.broadcast %broadcast_in_dim3A_275 : f32 to vector<16xf32>
    %swap3A_277 = arith.constant 608 : index
    %swap3A_278 = tpu.vector_load %arg8[%swap3A_277] {strides = array<i32>} : memref<1024xf32, #tpu.memory_space<vmem>>, vector<16xf32>,
    %swap3A_279 = vector.shape_cast %swap3A_278 : vector<16xf32> to vector<16xf32>
    %swap3A_280 = vector.shape_cast %broadcast_in_dim3A_276 : vector<16xf32> to vector<16xf32>
    tpu.vector_store %arg8[%swap3A_277], %swap3A_280 {strides = array<i32>} : memref<1024xf32, #tpu.memory_space<vmem>>, vector<16xf32>,
    %broadcast_in_dim3A_281 = arith.constant 0.000000e+00 : f32
    %broadcast_in_dim3A_282 = vector.broadcast %broadcast_in_dim3A_281 : f32 to vector<16xf32>
    %swap3A_283 = arith.constant 624 : index
    %swap3A_284 = tpu.vector_load %arg8[%swap3A_283] {strides = array<i32>} : memref<1024xf32, #tpu.memory_space<vmem>>, vector<16xf32>,
    %swap3A_285 = vector.shape_cast %swap3A_284 : vector<16xf32> to vector<16xf32>
    %swap3A_286 = vector.shape_cast %broadcast_in_dim3A_282 : vector<16xf32> to vector<16xf32>
    tpu.vector_store %arg8[%swap3A_283], %swap3A_286 {strides = array<i32>} : memref<1024xf32, #tpu.memory_space<vmem>>, vector<16xf32>,
    %broadcast_in_dim3A_287 = arith.constant 0.000000e+00 : f32
    %broadcast_in_dim3A_288 = vector.broadcast %broadcast_in_dim3A_287 : f32 to vector<16xf32>
    %swap3A_289 = arith.constant 640 : index
    %swap3A_290 = tpu.vector_load %arg8[%swap3A_289] {strides = array<i32>} : memref<1024xf32, #tpu.memory_space<vmem>>, vector<16xf32>,
    %swap3A_291 = vector.shape_cast %swap3A_290 : vector<16xf32> to vector<16xf32>
    %swap3A_292 = vector.shape_cast %broadcast_in_dim3A_288 : vector<16xf32> to vector<16xf32>
    tpu.vector_store %arg8[%swap3A_289], %swap3A_292 {strides = array<i32>} : memref<1024xf32, #tpu.memory_space<vmem>>, vector<16xf32>,
    %broadcast_in_dim3A_293 = arith.constant 0.000000e+00 : f32
    %broadcast_in_dim3A_294 = vector.broadcast %broadcast_in_dim3A_293 : f32 to vector<16xf32>
    %swap3A_295 = arith.constant 656 : index
    %swap3A_296 = tpu.vector_load %arg8[%swap3A_295] {strides = array<i32>} : memref<1024xf32, #tpu.memory_space<vmem>>, vector<16xf32>,
    %swap3A_297 = vector.shape_cast %swap3A_296 : vector<16xf32> to vector<16xf32>
    %swap3A_298 = vector.shape_cast %broadcast_in_dim3A_294 : vector<16xf32> to vector<16xf32>
    tpu.vector_store %arg8[%swap3A_295], %swap3A_298 {strides = array<i32>} : memref<1024xf32, #tpu.memory_space<vmem>>, vector<16xf32>,
    %broadcast_in_dim3A_299 = arith.constant 0.000000e+00 : f32
    %broadcast_in_dim3A_300 = vector.broadcast %broadcast_in_dim3A_299 : f32 to vector<16xf32>
    %swap3A_301 = arith.constant 672 : index
    %swap3A_302 = tpu.vector_load %arg8[%swap3A_301] {strides = array<i32>} : memref<1024xf32, #tpu.memory_space<vmem>>, vector<16xf32>,
    %swap3A_303 = vector.shape_cast %swap3A_302 : vector<16xf32> to vector<16xf32>
    %swap3A_304 = vector.shape_cast %broadcast_in_dim3A_300 : vector<16xf32> to vector<16xf32>
    tpu.vector_store %arg8[%swap3A_301], %swap3A_304 {strides = array<i32>} : memref<1024xf32, #tpu.memory_space<vmem>>, vector<16xf32>,
    %broadcast_in_dim3A_305 = arith.constant 0.000000e+00 : f32
    %broadcast_in_dim3A_306 = vector.broadcast %broadcast_in_dim3A_305 : f32 to vector<16xf32>
    %swap3A_307 = arith.constant 688 : index
    %swap3A_308 = tpu.vector_load %arg8[%swap3A_307] {strides = array<i32>} : memref<1024xf32, #tpu.memory_space<vmem>>, vector<16xf32>,
    %swap3A_309 = vector.shape_cast %swap3A_308 : vector<16xf32> to vector<16xf32>
    %swap3A_310 = vector.shape_cast %broadcast_in_dim3A_306 : vector<16xf32> to vector<16xf32>
    tpu.vector_store %arg8[%swap3A_307], %swap3A_310 {strides = array<i32>} : memref<1024xf32, #tpu.memory_space<vmem>>, vector<16xf32>,
    %broadcast_in_dim3A_311 = arith.constant 0.000000e+00 : f32
    %broadcast_in_dim3A_312 = vector.broadcast %broadcast_in_dim3A_311 : f32 to vector<16xf32>
    %swap3A_313 = arith.constant 704 : index
    %swap3A_314 = tpu.vector_load %arg8[%swap3A_313] {strides = array<i32>} : memref<1024xf32, #tpu.memory_space<vmem>>, vector<16xf32>,
    %swap3A_315 = vector.shape_cast %swap3A_314 : vector<16xf32> to vector<16xf32>
    %swap3A_316 = vector.shape_cast %broadcast_in_dim3A_312 : vector<16xf32> to vector<16xf32>
    tpu.vector_store %arg8[%swap3A_313], %swap3A_316 {strides = array<i32>} : memref<1024xf32, #tpu.memory_space<vmem>>, vector<16xf32>,
    %broadcast_in_dim3A_317 = arith.constant 0.000000e+00 : f32
    %broadcast_in_dim3A_318 = vector.broadcast %broadcast_in_dim3A_317 : f32 to vector<16xf32>
    %swap3A_319 = arith.constant 720 : index
    %swap3A_320 = tpu.vector_load %arg8[%swap3A_319] {strides = array<i32>} : memref<1024xf32, #tpu.memory_space<vmem>>, vector<16xf32>,
    %swap3A_321 = vector.shape_cast %swap3A_320 : vector<16xf32> to vector<16xf32>
    %swap3A_322 = vector.shape_cast %broadcast_in_dim3A_318 : vector<16xf32> to vector<16xf32>
    tpu.vector_store %arg8[%swap3A_319], %swap3A_322 {strides = array<i32>} : memref<1024xf32, #tpu.memory_space<vmem>>, vector<16xf32>,
    %broadcast_in_dim3A_323 = arith.constant 0.000000e+00 : f32
    %broadcast_in_dim3A_324 = vector.broadcast %broadcast_in_dim3A_323 : f32 to vector<16xf32>
    %swap3A_325 = arith.constant 736 : index
    %swap3A_326 = tpu.vector_load %arg8[%swap3A_325] {strides = array<i32>} : memref<1024xf32, #tpu.memory_space<vmem>>, vector<16xf32>,
    %swap3A_327 = vector.shape_cast %swap3A_326 : vector<16xf32> to vector<16xf32>
    %swap3A_328 = vector.shape_cast %broadcast_in_dim3A_324 : vector<16xf32> to vector<16xf32>
    tpu.vector_store %arg8[%swap3A_325], %swap3A_328 {strides = array<i32>} : memref<1024xf32, #tpu.memory_space<vmem>>, vector<16xf32>,
    %broadcast_in_dim3A_329 = arith.constant 0.000000e+00 : f32
    %broadcast_in_dim3A_330 = vector.broadcast %broadcast_in_dim3A_329 : f32 to vector<16xf32>
    %swap3A_331 = arith.constant 752 : index
    %swap3A_332 = tpu.vector_load %arg8[%swap3A_331] {strides = array<i32>} : memref<1024xf32, #tpu.memory_space<vmem>>, vector<16xf32>,
    %swap3A_333 = vector.shape_cast %swap3A_332 : vector<16xf32> to vector<16xf32>
    %swap3A_334 = vector.shape_cast %broadcast_in_dim3A_330 : vector<16xf32> to vector<16xf32>
    tpu.vector_store %arg8[%swap3A_331], %swap3A_334 {strides = array<i32>} : memref<1024xf32, #tpu.memory_space<vmem>>, vector<16xf32>,
    %broadcast_in_dim3A_335 = arith.constant 0.000000e+00 : f32
    %broadcast_in_dim3A_336 = vector.broadcast %broadcast_in_dim3A_335 : f32 to vector<16xf32>
    %swap3A_337 = arith.constant 768 : index
    %swap3A_338 = tpu.vector_load %arg8[%swap3A_337] {strides = array<i32>} : memref<1024xf32, #tpu.memory_space<vmem>>, vector<16xf32>,
    %swap3A_339 = vector.shape_cast %swap3A_338 : vector<16xf32> to vector<16xf32>
    %swap3A_340 = vector.shape_cast %broadcast_in_dim3A_336 : vector<16xf32> to vector<16xf32>
    tpu.vector_store %arg8[%swap3A_337], %swap3A_340 {strides = array<i32>} : memref<1024xf32, #tpu.memory_space<vmem>>, vector<16xf32>,
    %broadcast_in_dim3A_341 = arith.constant 0.000000e+00 : f32
    %broadcast_in_dim3A_342 = vector.broadcast %broadcast_in_dim3A_341 : f32 to vector<16xf32>
    %swap3A_343 = arith.constant 784 : index
    %swap3A_344 = tpu.vector_load %arg8[%swap3A_343] {strides = array<i32>} : memref<1024xf32, #tpu.memory_space<vmem>>, vector<16xf32>,
    %swap3A_345 = vector.shape_cast %swap3A_344 : vector<16xf32> to vector<16xf32>
    %swap3A_346 = vector.shape_cast %broadcast_in_dim3A_342 : vector<16xf32> to vector<16xf32>
    tpu.vector_store %arg8[%swap3A_343], %swap3A_346 {strides = array<i32>} : memref<1024xf32, #tpu.memory_space<vmem>>, vector<16xf32>,
    %broadcast_in_dim3A_347 = arith.constant 0.000000e+00 : f32
    %broadcast_in_dim3A_348 = vector.broadcast %broadcast_in_dim3A_347 : f32 to vector<16xf32>
    %swap3A_349 = arith.constant 800 : index
    %swap3A_350 = tpu.vector_load %arg8[%swap3A_349] {strides = array<i32>} : memref<1024xf32, #tpu.memory_space<vmem>>, vector<16xf32>,
    %swap3A_351 = vector.shape_cast %swap3A_350 : vector<16xf32> to vector<16xf32>
    %swap3A_352 = vector.shape_cast %broadcast_in_dim3A_348 : vector<16xf32> to vector<16xf32>
    tpu.vector_store %arg8[%swap3A_349], %swap3A_352 {strides = array<i32>} : memref<1024xf32, #tpu.memory_space<vmem>>, vector<16xf32>,
    %broadcast_in_dim3A_353 = arith.constant 0.000000e+00 : f32
    %broadcast_in_dim3A_354 = vector.broadcast %broadcast_in_dim3A_353 : f32 to vector<16xf32>
    %swap3A_355 = arith.constant 816 : index
    %swap3A_356 = tpu.vector_load %arg8[%swap3A_355] {strides = array<i32>} : memref<1024xf32, #tpu.memory_space<vmem>>, vector<16xf32>,
    %swap3A_357 = vector.shape_cast %swap3A_356 : vector<16xf32> to vector<16xf32>
    %swap3A_358 = vector.shape_cast %broadcast_in_dim3A_354 : vector<16xf32> to vector<16xf32>
    tpu.vector_store %arg8[%swap3A_355], %swap3A_358 {strides = array<i32>} : memref<1024xf32, #tpu.memory_space<vmem>>, vector<16xf32>,
    %broadcast_in_dim3A_359 = arith.constant 0.000000e+00 : f32
    %broadcast_in_dim3A_360 = vector.broadcast %broadcast_in_dim3A_359 : f32 to vector<16xf32>
    %swap3A_361 = arith.constant 832 : index
    %swap3A_362 = tpu.vector_load %arg8[%swap3A_361] {strides = array<i32>} : memref<1024xf32, #tpu.memory_space<vmem>>, vector<16xf32>,
    %swap3A_363 = vector.shape_cast %swap3A_362 : vector<16xf32> to vector<16xf32>
    %swap3A_364 = vector.shape_cast %broadcast_in_dim3A_360 : vector<16xf32> to vector<16xf32>
    tpu.vector_store %arg8[%swap3A_361], %swap3A_364 {strides = array<i32>} : memref<1024xf32, #tpu.memory_space<vmem>>, vector<16xf32>,
    %broadcast_in_dim3A_365 = arith.constant 0.000000e+00 : f32
    %broadcast_in_dim3A_366 = vector.broadcast %broadcast_in_dim3A_365 : f32 to vector<16xf32>
    %swap3A_367 = arith.constant 848 : index
    %swap3A_368 = tpu.vector_load %arg8[%swap3A_367] {strides = array<i32>} : memref<1024xf32, #tpu.memory_space<vmem>>, vector<16xf32>,
    %swap3A_369 = vector.shape_cast %swap3A_368 : vector<16xf32> to vector<16xf32>
    %swap3A_370 = vector.shape_cast %broadcast_in_dim3A_366 : vector<16xf32> to vector<16xf32>
    tpu.vector_store %arg8[%swap3A_367], %swap3A_370 {strides = array<i32>} : memref<1024xf32, #tpu.memory_space<vmem>>, vector<16xf32>,
    %broadcast_in_dim3A_371 = arith.constant 0.000000e+00 : f32
    %broadcast_in_dim3A_372 = vector.broadcast %broadcast_in_dim3A_371 : f32 to vector<16xf32>
    %swap3A_373 = arith.constant 864 : index
    %swap3A_374 = tpu.vector_load %arg8[%swap3A_373] {strides = array<i32>} : memref<1024xf32, #tpu.memory_space<vmem>>, vector<16xf32>,
    %swap3A_375 = vector.shape_cast %swap3A_374 : vector<16xf32> to vector<16xf32>
    %swap3A_376 = vector.shape_cast %broadcast_in_dim3A_372 : vector<16xf32> to vector<16xf32>
    tpu.vector_store %arg8[%swap3A_373], %swap3A_376 {strides = array<i32>} : memref<1024xf32, #tpu.memory_space<vmem>>, vector<16xf32>,
    %broadcast_in_dim3A_377 = arith.constant 0.000000e+00 : f32
    %broadcast_in_dim3A_378 = vector.broadcast %broadcast_in_dim3A_377 : f32 to vector<16xf32>
    %swap3A_379 = arith.constant 880 : index
    %swap3A_380 = tpu.vector_load %arg8[%swap3A_379] {strides = array<i32>} : memref<1024xf32, #tpu.memory_space<vmem>>, vector<16xf32>,
    %swap3A_381 = vector.shape_cast %swap3A_380 : vector<16xf32> to vector<16xf32>
    %swap3A_382 = vector.shape_cast %broadcast_in_dim3A_378 : vector<16xf32> to vector<16xf32>
    tpu.vector_store %arg8[%swap3A_379], %swap3A_382 {strides = array<i32>} : memref<1024xf32, #tpu.memory_space<vmem>>, vector<16xf32>,
    %broadcast_in_dim3A_383 = arith.constant 0.000000e+00 : f32
    %broadcast_in_dim3A_384 = vector.broadcast %broadcast_in_dim3A_383 : f32 to vector<16xf32>
    %swap3A_385 = arith.constant 896 : index
    %swap3A_386 = tpu.vector_load %arg8[%swap3A_385] {strides = array<i32>} : memref<1024xf32, #tpu.memory_space<vmem>>, vector<16xf32>,
    %swap3A_387 = vector.shape_cast %swap3A_386 : vector<16xf32> to vector<16xf32>
    %swap3A_388 = vector.shape_cast %broadcast_in_dim3A_384 : vector<16xf32> to vector<16xf32>
    tpu.vector_store %arg8[%swap3A_385], %swap3A_388 {strides = array<i32>} : memref<1024xf32, #tpu.memory_space<vmem>>, vector<16xf32>,
    %broadcast_in_dim3A_389 = arith.constant 0.000000e+00 : f32
    %broadcast_in_dim3A_390 = vector.broadcast %broadcast_in_dim3A_389 : f32 to vector<16xf32>
    %swap3A_391 = arith.constant 912 : index
    %swap3A_392 = tpu.vector_load %arg8[%swap3A_391] {strides = array<i32>} : memref<1024xf32, #tpu.memory_space<vmem>>, vector<16xf32>,
    %swap3A_393 = vector.shape_cast %swap3A_392 : vector<16xf32> to vector<16xf32>
    %swap3A_394 = vector.shape_cast %broadcast_in_dim3A_390 : vector<16xf32> to vector<16xf32>
    tpu.vector_store %arg8[%swap3A_391], %swap3A_394 {strides = array<i32>} : memref<1024xf32, #tpu.memory_space<vmem>>, vector<16xf32>,
    %broadcast_in_dim3A_395 = arith.constant 0.000000e+00 : f32
    %broadcast_in_dim3A_396 = vector.broadcast %broadcast_in_dim3A_395 : f32 to vector<16xf32>
    %swap3A_397 = arith.constant 928 : index
    %swap3A_398 = tpu.vector_load %arg8[%swap3A_397] {strides = array<i32>} : memref<1024xf32, #tpu.memory_space<vmem>>, vector<16xf32>,
    %swap3A_399 = vector.shape_cast %swap3A_398 : vector<16xf32> to vector<16xf32>
    %swap3A_400 = vector.shape_cast %broadcast_in_dim3A_396 : vector<16xf32> to vector<16xf32>
    tpu.vector_store %arg8[%swap3A_397], %swap3A_400 {strides = array<i32>} : memref<1024xf32, #tpu.memory_space<vmem>>, vector<16xf32>,
    %broadcast_in_dim3A_401 = arith.constant 0.000000e+00 : f32
    %broadcast_in_dim3A_402 = vector.broadcast %broadcast_in_dim3A_401 : f32 to vector<16xf32>
    %swap3A_403 = arith.constant 944 : index
    %swap3A_404 = tpu.vector_load %arg8[%swap3A_403] {strides = array<i32>} : memref<1024xf32, #tpu.memory_space<vmem>>, vector<16xf32>,
    %swap3A_405 = vector.shape_cast %swap3A_404 : vector<16xf32> to vector<16xf32>
    %swap3A_406 = vector.shape_cast %broadcast_in_dim3A_402 : vector<16xf32> to vector<16xf32>
    tpu.vector_store %arg8[%swap3A_403], %swap3A_406 {strides = array<i32>} : memref<1024xf32, #tpu.memory_space<vmem>>, vector<16xf32>,
    %broadcast_in_dim3A_407 = arith.constant 0.000000e+00 : f32
    %broadcast_in_dim3A_408 = vector.broadcast %broadcast_in_dim3A_407 : f32 to vector<16xf32>
    %swap3A_409 = arith.constant 960 : index
    %swap3A_410 = tpu.vector_load %arg8[%swap3A_409] {strides = array<i32>} : memref<1024xf32, #tpu.memory_space<vmem>>, vector<16xf32>,
    %swap3A_411 = vector.shape_cast %swap3A_410 : vector<16xf32> to vector<16xf32>
    %swap3A_412 = vector.shape_cast %broadcast_in_dim3A_408 : vector<16xf32> to vector<16xf32>
    tpu.vector_store %arg8[%swap3A_409], %swap3A_412 {strides = array<i32>} : memref<1024xf32, #tpu.memory_space<vmem>>, vector<16xf32>,
    %broadcast_in_dim3A_413 = arith.constant 0.000000e+00 : f32
    %broadcast_in_dim3A_414 = vector.broadcast %broadcast_in_dim3A_413 : f32 to vector<16xf32>
    %swap3A_415 = arith.constant 976 : index
    %swap3A_416 = tpu.vector_load %arg8[%swap3A_415] {strides = array<i32>} : memref<1024xf32, #tpu.memory_space<vmem>>, vector<16xf32>,
    %swap3A_417 = vector.shape_cast %swap3A_416 : vector<16xf32> to vector<16xf32>
    %swap3A_418 = vector.shape_cast %broadcast_in_dim3A_414 : vector<16xf32> to vector<16xf32>
    tpu.vector_store %arg8[%swap3A_415], %swap3A_418 {strides = array<i32>} : memref<1024xf32, #tpu.memory_space<vmem>>, vector<16xf32>,
    %broadcast_in_dim3A_419 = arith.constant 0.000000e+00 : f32
    %broadcast_in_dim3A_420 = vector.broadcast %broadcast_in_dim3A_419 : f32 to vector<16xf32>
    %swap3A_421 = arith.constant 992 : index
    %swap3A_422 = tpu.vector_load %arg8[%swap3A_421] {strides = array<i32>} : memref<1024xf32, #tpu.memory_space<vmem>>, vector<16xf32>,
    %swap3A_423 = vector.shape_cast %swap3A_422 : vector<16xf32> to vector<16xf32>
    %swap3A_424 = vector.shape_cast %broadcast_in_dim3A_420 : vector<16xf32> to vector<16xf32>
    tpu.vector_store %arg8[%swap3A_421], %swap3A_424 {strides = array<i32>} : memref<1024xf32, #tpu.memory_space<vmem>>, vector<16xf32>,
    %broadcast_in_dim3A_425 = arith.constant 0.000000e+00 : f32
    %broadcast_in_dim3A_426 = vector.broadcast %broadcast_in_dim3A_425 : f32 to vector<16xf32>
    %swap3A_427 = arith.constant 1008 : index
    %swap3A_428 = tpu.vector_load %arg8[%swap3A_427] {strides = array<i32>} : memref<1024xf32, #tpu.memory_space<vmem>>, vector<16xf32>,
    %swap3A_429 = vector.shape_cast %swap3A_428 : vector<16xf32> to vector<16xf32>
    %swap3A_430 = vector.shape_cast %broadcast_in_dim3A_426 : vector<16xf32> to vector<16xf32>
    tpu.vector_store %arg8[%swap3A_427], %swap3A_430 {strides = array<i32>} : memref<1024xf32, #tpu.memory_space<vmem>>, vector<16xf32>,
    "tpu.region"() ({
      %run_scoped3A_969 = tpu.sem_alloc : memref<!tpu.dma_semaphore, #tpu.memory_space<semaphore_mem>>
      %dma_start3A = arith.constant 0 : i32
      %dma_start3A_970 = arith.constant 0 : i32
      %dma_start3A_971 = tpu.memref_slice %arg2[%add3A, %dma_start3A, %dma_start3A_970] : memref<32x4x128xi32, #tpu.memory_space<hbm>> -> memref<1x4x128xi32, #tpu.memory_space<hbm>>
      %dma_start3A_972 = tpu.memref_squeeze %dma_start3A_971 : memref<1x4x128xi32, #tpu.memory_space<hbm>> -> memref<4x128xi32, #tpu.memory_space<hbm>>
      %dma_start3A_973 = arith.constant 0 : i32
      %dma_start3A_974 = arith.constant 0 : i32
      %dma_start3A_975 = tpu.memref_slice %arg2[%add3A, %dma_start3A_973, %dma_start3A_974] : memref<32x4x128xi32, #tpu.memory_space<hbm>> -> memref<1x4x128xi32, #tpu.memory_space<hbm>>
      %dma_start3A_976 = tpu.memref_squeeze %dma_start3A_975 : memref<1x4x128xi32, #tpu.memory_space<hbm>> -> memref<4x128xi32, #tpu.memory_space<hbm>>
      tpu.enqueue_dma source(%dma_start3A_976 : memref<4x128xi32, #tpu.memory_space<hbm>>) target(%arg6 : memref<4x128xi32, #tpu.memory_space<vmem>>) target_semaphore(%run_scoped3A_969 : memref<!tpu.dma_semaphore, #tpu.memory_space<semaphore_mem>>)
      %dma_wait3A = arith.constant 0 : i32
      %dma_wait3A_977 = arith.constant 0 : i32
      %dma_wait3A_978 = tpu.memref_slice %arg2[%add3A, %dma_wait3A, %dma_wait3A_977] : memref<32x4x128xi32, #tpu.memory_space<hbm>> -> memref<1x4x128xi32, #tpu.memory_space<hbm>>
      %dma_wait3A_979 = tpu.memref_squeeze %dma_wait3A_978 : memref<1x4x128xi32, #tpu.memory_space<hbm>> -> memref<4x128xi32, #tpu.memory_space<hbm>>
      %dma_wait3A_980 = arith.constant 0 : i32
      %dma_wait3A_981 = arith.constant 0 : i32
      %dma_wait3A_982 = tpu.memref_slice %arg2[%add3A, %dma_wait3A_980, %dma_wait3A_981] : memref<32x4x128xi32, #tpu.memory_space<hbm>> -> memref<1x4x128xi32, #tpu.memory_space<hbm>>
      %dma_wait3A_983 = tpu.memref_squeeze %dma_wait3A_982 : memref<1x4x128xi32, #tpu.memory_space<hbm>> -> memref<4x128xi32, #tpu.memory_space<hbm>>
      tpu.wait_dma2 semaphore(%run_scoped3A_969 : memref<!tpu.dma_semaphore, #tpu.memory_space<semaphore_mem>>) src(%dma_wait3A_983 : memref<4x128xi32, #tpu.memory_space<hbm>>) dst(%arg6 : memref<4x128xi32, #tpu.memory_space<vmem>>)
      tpu.yield
    }) : () -> ()
    %eq3A = arith.constant 0 : i32
    %eq3A_431 = arith.cmpi eq, %arg1, %eq3A : i32
    %convert_element_type3A = arith.extui %eq3A_431 : i1 to i32
    %cond3A = arith.constant 0 : i32
    %cond3A_432 = arith.cmpi ne, %convert_element_type3A, %cond3A : i32
    scf.if %cond3A_432 {
      "tpu.region"() ({
        %run_scoped3A_969 = tpu.sem_alloc : memref<!tpu.dma_semaphore, #tpu.memory_space<semaphore_mem>>
        tpu.enqueue_dma source(%arg8 : memref<1024xf32, #tpu.memory_space<vmem>>) target(%arg11 : memref<1024xf32, #tpu.memory_space<vmem_shared>>) target_semaphore(%run_scoped3A_969 : memref<!tpu.dma_semaphore, #tpu.memory_space<semaphore_mem>>)
        tpu.wait_dma2 semaphore(%run_scoped3A_969 : memref<!tpu.dma_semaphore, #tpu.memory_space<semaphore_mem>>) src(%arg8 : memref<1024xf32, #tpu.memory_space<vmem>>) dst(%arg11 : memref<1024xf32, #tpu.memory_space<vmem_shared>>)
        tpu.yield
      }) : () -> ()
    } else {
    }
    %barrier3A = arith.constant 0 : index
    tpu.barrier barrier_id(%barrier3A)
    %mul3A_433 = arith.constant 2 : i32
    %mul3A_434 = arith.muli %mul3A_433, %arg1 : i32
    %add3A_435 = arith.constant 0 : i32
    %add3A_436 = arith.addi %mul3A_434, %add3A_435 : i32
    "tpu.region"() ({
      %run_scoped3A_969 = tpu.sem_alloc : memref<!tpu.dma_semaphore, #tpu.memory_space<semaphore_mem>>
      %dma_start3A = arith.constant 0 : i32
      %dma_start3A_970 = arith.constant 0 : i32
      %dma_start3A_971 = tpu.memref_slice %arg2[%add3A_436, %dma_start3A, %dma_start3A_970] : memref<32x4x128xi32, #tpu.memory_space<hbm>> -> memref<1x4x128xi32, #tpu.memory_space<hbm>>
      %dma_start3A_972 = tpu.memref_squeeze %dma_start3A_971 : memref<1x4x128xi32, #tpu.memory_space<hbm>> -> memref<4x128xi32, #tpu.memory_space<hbm>>
      %dma_start3A_973 = arith.constant 0 : i32
      %dma_start3A_974 = arith.constant 0 : i32
      %dma_start3A_975 = tpu.memref_slice %arg2[%add3A_436, %dma_start3A_973, %dma_start3A_974] : memref<32x4x128xi32, #tpu.memory_space<hbm>> -> memref<1x4x128xi32, #tpu.memory_space<hbm>>
      %dma_start3A_976 = tpu.memref_squeeze %dma_start3A_975 : memref<1x4x128xi32, #tpu.memory_space<hbm>> -> memref<4x128xi32, #tpu.memory_space<hbm>>
      tpu.enqueue_dma source(%dma_start3A_976 : memref<4x128xi32, #tpu.memory_space<hbm>>) target(%arg5 : memref<4x128xi32, #tpu.memory_space<vmem>>) target_semaphore(%run_scoped3A_969 : memref<!tpu.dma_semaphore, #tpu.memory_space<semaphore_mem>>)
      %dma_wait3A = arith.constant 0 : i32
      %dma_wait3A_977 = arith.constant 0 : i32
      %dma_wait3A_978 = tpu.memref_slice %arg2[%add3A_436, %dma_wait3A, %dma_wait3A_977] : memref<32x4x128xi32, #tpu.memory_space<hbm>> -> memref<1x4x128xi32, #tpu.memory_space<hbm>>
      %dma_wait3A_979 = tpu.memref_squeeze %dma_wait3A_978 : memref<1x4x128xi32, #tpu.memory_space<hbm>> -> memref<4x128xi32, #tpu.memory_space<hbm>>
      %dma_wait3A_980 = arith.constant 0 : i32
      %dma_wait3A_981 = arith.constant 0 : i32
      %dma_wait3A_982 = tpu.memref_slice %arg2[%add3A_436, %dma_wait3A_980, %dma_wait3A_981] : memref<32x4x128xi32, #tpu.memory_space<hbm>> -> memref<1x4x128xi32, #tpu.memory_space<hbm>>
      %dma_wait3A_983 = tpu.memref_squeeze %dma_wait3A_982 : memref<1x4x128xi32, #tpu.memory_space<hbm>> -> memref<4x128xi32, #tpu.memory_space<hbm>>
      tpu.wait_dma2 semaphore(%run_scoped3A_969 : memref<!tpu.dma_semaphore, #tpu.memory_space<semaphore_mem>>) src(%dma_wait3A_983 : memref<4x128xi32, #tpu.memory_space<hbm>>) dst(%arg5 : memref<4x128xi32, #tpu.memory_space<vmem>>)
      tpu.yield
    }) : () -> ()
    %run_scoped3A = arith.constant 0 : i32
    "tpu.region"() ({
      %run_scoped3A_969 = tpu.sem_alloc : memref<!tpu.dma_semaphore, #tpu.memory_space<semaphore_mem>>
      %dma_start3A = arith.constant 0 : i32
      %dma_start3A_970 = tpu.memref_slice %arg5[%run_scoped3A, %dma_start3A] : memref<4x128xi32, #tpu.memory_space<vmem>> -> memref<1x128xi32, #tpu.memory_space<vmem>>
      %dma_start3A_971 = tpu.memref_squeeze %dma_start3A_970 : memref<1x128xi32, #tpu.memory_space<vmem>> -> memref<128xi32, #tpu.memory_space<vmem>>
      %dma_start3A_972 = arith.constant 0 : i32
      %dma_start3A_973 = tpu.memref_slice %arg11[%dma_start3A_972] : memref<1024xf32, #tpu.memory_space<vmem_shared>> -> memref<1024xf32, #tpu.memory_space<vmem_shared>>
      tpu.enqueue_indirect_dma source(%arg7 : memref<128xf32, #tpu.memory_space<vmem>>) target(%dma_start3A_973 : memref<1024xf32, #tpu.memory_space<vmem_shared>>) offsets(%dma_start3A_971 : memref<128xi32, #tpu.memory_space<vmem>>) semaphore(%run_scoped3A_969 : memref<!tpu.dma_semaphore, #tpu.memory_space<semaphore_mem>>) {add = true}
      %dma_wait3A = arith.constant 0 : i32
      %dma_wait3A_974 = tpu.memref_slice %arg5[%run_scoped3A, %dma_wait3A] : memref<4x128xi32, #tpu.memory_space<vmem>> -> memref<1x128xi32, #tpu.memory_space<vmem>>
      %dma_wait3A_975 = tpu.memref_squeeze %dma_wait3A_974 : memref<1x128xi32, #tpu.memory_space<vmem>> -> memref<128xi32, #tpu.memory_space<vmem>>
      %dma_wait3A_976 = arith.constant 0 : i32
      %dma_wait3A_977 = tpu.memref_slice %arg11[%dma_wait3A_976] : memref<1024xf32, #tpu.memory_space<vmem_shared>> -> memref<1024xf32, #tpu.memory_space<vmem_shared>>
      tpu.wait_indirect_dma semaphore(%run_scoped3A_969 : memref<!tpu.dma_semaphore, #tpu.memory_space<semaphore_mem>>) src(%arg7 : memref<128xf32, #tpu.memory_space<vmem>>) dst(%dma_wait3A_977 : memref<1024xf32, #tpu.memory_space<vmem_shared>>)
      tpu.yield
    }) : () -> ()
    %run_scoped3A_437 = arith.constant 1 : i32
    "tpu.region"() ({
      %run_scoped3A_969 = tpu.sem_alloc : memref<!tpu.dma_semaphore, #tpu.memory_space<semaphore_mem>>
      %dma_start3A = arith.constant 0 : i32
      %dma_start3A_970 = tpu.memref_slice %arg5[%run_scoped3A_437, %dma_start3A] : memref<4x128xi32, #tpu.memory_space<vmem>> -> memref<1x128xi32, #tpu.memory_space<vmem>>
      %dma_start3A_971 = tpu.memref_squeeze %dma_start3A_970 : memref<1x128xi32, #tpu.memory_space<vmem>> -> memref<128xi32, #tpu.memory_space<vmem>>
      %dma_start3A_972 = arith.constant 0 : i32
      %dma_start3A_973 = tpu.memref_slice %arg11[%dma_start3A_972] : memref<1024xf32, #tpu.memory_space<vmem_shared>> -> memref<1024xf32, #tpu.memory_space<vmem_shared>>
      tpu.enqueue_indirect_dma source(%arg7 : memref<128xf32, #tpu.memory_space<vmem>>) target(%dma_start3A_973 : memref<1024xf32, #tpu.memory_space<vmem_shared>>) offsets(%dma_start3A_971 : memref<128xi32, #tpu.memory_space<vmem>>) semaphore(%run_scoped3A_969 : memref<!tpu.dma_semaphore, #tpu.memory_space<semaphore_mem>>) {add = true}
      %dma_wait3A = arith.constant 0 : i32
      %dma_wait3A_974 = tpu.memref_slice %arg5[%run_scoped3A_437, %dma_wait3A] : memref<4x128xi32, #tpu.memory_space<vmem>> -> memref<1x128xi32, #tpu.memory_space<vmem>>
      %dma_wait3A_975 = tpu.memref_squeeze %dma_wait3A_974 : memref<1x128xi32, #tpu.memory_space<vmem>> -> memref<128xi32, #tpu.memory_space<vmem>>
      %dma_wait3A_976 = arith.constant 0 : i32
      %dma_wait3A_977 = tpu.memref_slice %arg11[%dma_wait3A_976] : memref<1024xf32, #tpu.memory_space<vmem_shared>> -> memref<1024xf32, #tpu.memory_space<vmem_shared>>
      tpu.wait_indirect_dma semaphore(%run_scoped3A_969 : memref<!tpu.dma_semaphore, #tpu.memory_space<semaphore_mem>>) src(%arg7 : memref<128xf32, #tpu.memory_space<vmem>>) dst(%dma_wait3A_977 : memref<1024xf32, #tpu.memory_space<vmem_shared>>)
      tpu.yield
    }) : () -> ()
    %run_scoped3A_438 = arith.constant 2 : i32
    "tpu.region"() ({
      %run_scoped3A_969 = tpu.sem_alloc : memref<!tpu.dma_semaphore, #tpu.memory_space<semaphore_mem>>
      %dma_start3A = arith.constant 0 : i32
      %dma_start3A_970 = tpu.memref_slice %arg5[%run_scoped3A_438, %dma_start3A] : memref<4x128xi32, #tpu.memory_space<vmem>> -> memref<1x128xi32, #tpu.memory_space<vmem>>
      %dma_start3A_971 = tpu.memref_squeeze %dma_start3A_970 : memref<1x128xi32, #tpu.memory_space<vmem>> -> memref<128xi32, #tpu.memory_space<vmem>>
      %dma_start3A_972 = arith.constant 0 : i32
      %dma_start3A_973 = tpu.memref_slice %arg11[%dma_start3A_972] : memref<1024xf32, #tpu.memory_space<vmem_shared>> -> memref<1024xf32, #tpu.memory_space<vmem_shared>>
      tpu.enqueue_indirect_dma source(%arg7 : memref<128xf32, #tpu.memory_space<vmem>>) target(%dma_start3A_973 : memref<1024xf32, #tpu.memory_space<vmem_shared>>) offsets(%dma_start3A_971 : memref<128xi32, #tpu.memory_space<vmem>>) semaphore(%run_scoped3A_969 : memref<!tpu.dma_semaphore, #tpu.memory_space<semaphore_mem>>) {add = true}
      %dma_wait3A = arith.constant 0 : i32
      %dma_wait3A_974 = tpu.memref_slice %arg5[%run_scoped3A_438, %dma_wait3A] : memref<4x128xi32, #tpu.memory_space<vmem>> -> memref<1x128xi32, #tpu.memory_space<vmem>>
      %dma_wait3A_975 = tpu.memref_squeeze %dma_wait3A_974 : memref<1x128xi32, #tpu.memory_space<vmem>> -> memref<128xi32, #tpu.memory_space<vmem>>
      %dma_wait3A_976 = arith.constant 0 : i32
      %dma_wait3A_977 = tpu.memref_slice %arg11[%dma_wait3A_976] : memref<1024xf32, #tpu.memory_space<vmem_shared>> -> memref<1024xf32, #tpu.memory_space<vmem_shared>>
      tpu.wait_indirect_dma semaphore(%run_scoped3A_969 : memref<!tpu.dma_semaphore, #tpu.memory_space<semaphore_mem>>) src(%arg7 : memref<128xf32, #tpu.memory_space<vmem>>) dst(%dma_wait3A_977 : memref<1024xf32, #tpu.memory_space<vmem_shared>>)
      tpu.yield
    }) : () -> ()
    %run_scoped3A_439 = arith.constant 3 : i32
    "tpu.region"() ({
      %run_scoped3A_969 = tpu.sem_alloc : memref<!tpu.dma_semaphore, #tpu.memory_space<semaphore_mem>>
      %dma_start3A = arith.constant 0 : i32
      %dma_start3A_970 = tpu.memref_slice %arg5[%run_scoped3A_439, %dma_start3A] : memref<4x128xi32, #tpu.memory_space<vmem>> -> memref<1x128xi32, #tpu.memory_space<vmem>>
      %dma_start3A_971 = tpu.memref_squeeze %dma_start3A_970 : memref<1x128xi32, #tpu.memory_space<vmem>> -> memref<128xi32, #tpu.memory_space<vmem>>
      %dma_start3A_972 = arith.constant 0 : i32
      %dma_start3A_973 = tpu.memref_slice %arg11[%dma_start3A_972] : memref<1024xf32, #tpu.memory_space<vmem_shared>> -> memref<1024xf32, #tpu.memory_space<vmem_shared>>
      tpu.enqueue_indirect_dma source(%arg7 : memref<128xf32, #tpu.memory_space<vmem>>) target(%dma_start3A_973 : memref<1024xf32, #tpu.memory_space<vmem_shared>>) offsets(%dma_start3A_971 : memref<128xi32, #tpu.memory_space<vmem>>) semaphore(%run_scoped3A_969 : memref<!tpu.dma_semaphore, #tpu.memory_space<semaphore_mem>>) {add = true}
      %dma_wait3A = arith.constant 0 : i32
      %dma_wait3A_974 = tpu.memref_slice %arg5[%run_scoped3A_439, %dma_wait3A] : memref<4x128xi32, #tpu.memory_space<vmem>> -> memref<1x128xi32, #tpu.memory_space<vmem>>
      %dma_wait3A_975 = tpu.memref_squeeze %dma_wait3A_974 : memref<1x128xi32, #tpu.memory_space<vmem>> -> memref<128xi32, #tpu.memory_space<vmem>>
      %dma_wait3A_976 = arith.constant 0 : i32
      %dma_wait3A_977 = tpu.memref_slice %arg11[%dma_wait3A_976] : memref<1024xf32, #tpu.memory_space<vmem_shared>> -> memref<1024xf32, #tpu.memory_space<vmem_shared>>
      tpu.wait_indirect_dma semaphore(%run_scoped3A_969 : memref<!tpu.dma_semaphore, #tpu.memory_space<semaphore_mem>>) src(%arg7 : memref<128xf32, #tpu.memory_space<vmem>>) dst(%dma_wait3A_977 : memref<1024xf32, #tpu.memory_space<vmem_shared>>)
      tpu.yield
    }) : () -> ()
    %mul3A_440 = arith.constant 2 : i32
    %mul3A_441 = arith.muli %mul3A_440, %arg1 : i32
    %add3A_442 = arith.constant 1 : i32
    %add3A_443 = arith.addi %mul3A_441, %add3A_442 : i32
    "tpu.region"() ({
      %run_scoped3A_969 = tpu.sem_alloc : memref<!tpu.dma_semaphore, #tpu.memory_space<semaphore_mem>>
      %dma_start3A = arith.constant 0 : i32
      %dma_start3A_970 = arith.constant 0 : i32
      %dma_start3A_971 = tpu.memref_slice %arg2[%add3A_443, %dma_start3A, %dma_start3A_970] : memref<32x4x128xi32, #tpu.memory_space<hbm>> -> memref<1x4x128xi32, #tpu.memory_space<hbm>>
      %dma_start3A_972 = tpu.memref_squeeze %dma_start3A_971 : memref<1x4x128xi32, #tpu.memory_space<hbm>> -> memref<4x128xi32, #tpu.memory_space<hbm>>
      %dma_start3A_973 = arith.constant 0 : i32
      %dma_start3A_974 = arith.constant 0 : i32
      %dma_start3A_975 = tpu.memref_slice %arg2[%add3A_443, %dma_start3A_973, %dma_start3A_974] : memref<32x4x128xi32, #tpu.memory_space<hbm>> -> memref<1x4x128xi32, #tpu.memory_space<hbm>>
      %dma_start3A_976 = tpu.memref_squeeze %dma_start3A_975 : memref<1x4x128xi32, #tpu.memory_space<hbm>> -> memref<4x128xi32, #tpu.memory_space<hbm>>
      tpu.enqueue_dma source(%dma_start3A_976 : memref<4x128xi32, #tpu.memory_space<hbm>>) target(%arg5 : memref<4x128xi32, #tpu.memory_space<vmem>>) target_semaphore(%run_scoped3A_969 : memref<!tpu.dma_semaphore, #tpu.memory_space<semaphore_mem>>)
      %dma_wait3A = arith.constant 0 : i32
      %dma_wait3A_977 = arith.constant 0 : i32
      %dma_wait3A_978 = tpu.memref_slice %arg2[%add3A_443, %dma_wait3A, %dma_wait3A_977] : memref<32x4x128xi32, #tpu.memory_space<hbm>> -> memref<1x4x128xi32, #tpu.memory_space<hbm>>
      %dma_wait3A_979 = tpu.memref_squeeze %dma_wait3A_978 : memref<1x4x128xi32, #tpu.memory_space<hbm>> -> memref<4x128xi32, #tpu.memory_space<hbm>>
      %dma_wait3A_980 = arith.constant 0 : i32
      %dma_wait3A_981 = arith.constant 0 : i32
      %dma_wait3A_982 = tpu.memref_slice %arg2[%add3A_443, %dma_wait3A_980, %dma_wait3A_981] : memref<32x4x128xi32, #tpu.memory_space<hbm>> -> memref<1x4x128xi32, #tpu.memory_space<hbm>>
      %dma_wait3A_983 = tpu.memref_squeeze %dma_wait3A_982 : memref<1x4x128xi32, #tpu.memory_space<hbm>> -> memref<4x128xi32, #tpu.memory_space<hbm>>
      tpu.wait_dma2 semaphore(%run_scoped3A_969 : memref<!tpu.dma_semaphore, #tpu.memory_space<semaphore_mem>>) src(%dma_wait3A_983 : memref<4x128xi32, #tpu.memory_space<hbm>>) dst(%arg5 : memref<4x128xi32, #tpu.memory_space<vmem>>)
      tpu.yield
    }) : () -> ()
    %run_scoped3A_444 = arith.constant 0 : i32
    "tpu.region"() ({
      %run_scoped3A_969 = tpu.sem_alloc : memref<!tpu.dma_semaphore, #tpu.memory_space<semaphore_mem>>
      %dma_start3A = arith.constant 0 : i32
      %dma_start3A_970 = tpu.memref_slice %arg5[%run_scoped3A_444, %dma_start3A] : memref<4x128xi32, #tpu.memory_space<vmem>> -> memref<1x128xi32, #tpu.memory_space<vmem>>
      %dma_start3A_971 = tpu.memref_squeeze %dma_start3A_970 : memref<1x128xi32, #tpu.memory_space<vmem>> -> memref<128xi32, #tpu.memory_space<vmem>>
      %dma_start3A_972 = arith.constant 0 : i32
      %dma_start3A_973 = tpu.memref_slice %arg11[%dma_start3A_972] : memref<1024xf32, #tpu.memory_space<vmem_shared>> -> memref<1024xf32, #tpu.memory_space<vmem_shared>>
      tpu.enqueue_indirect_dma source(%arg7 : memref<128xf32, #tpu.memory_space<vmem>>) target(%dma_start3A_973 : memref<1024xf32, #tpu.memory_space<vmem_shared>>) offsets(%dma_start3A_971 : memref<128xi32, #tpu.memory_space<vmem>>) semaphore(%run_scoped3A_969 : memref<!tpu.dma_semaphore, #tpu.memory_space<semaphore_mem>>) {add = true}
      %dma_wait3A = arith.constant 0 : i32
      %dma_wait3A_974 = tpu.memref_slice %arg5[%run_scoped3A_444, %dma_wait3A] : memref<4x128xi32, #tpu.memory_space<vmem>> -> memref<1x128xi32, #tpu.memory_space<vmem>>
      %dma_wait3A_975 = tpu.memref_squeeze %dma_wait3A_974 : memref<1x128xi32, #tpu.memory_space<vmem>> -> memref<128xi32, #tpu.memory_space<vmem>>
      %dma_wait3A_976 = arith.constant 0 : i32
      %dma_wait3A_977 = tpu.memref_slice %arg11[%dma_wait3A_976] : memref<1024xf32, #tpu.memory_space<vmem_shared>> -> memref<1024xf32, #tpu.memory_space<vmem_shared>>
      tpu.wait_indirect_dma semaphore(%run_scoped3A_969 : memref<!tpu.dma_semaphore, #tpu.memory_space<semaphore_mem>>) src(%arg7 : memref<128xf32, #tpu.memory_space<vmem>>) dst(%dma_wait3A_977 : memref<1024xf32, #tpu.memory_space<vmem_shared>>)
      tpu.yield
    }) : () -> ()
    %run_scoped3A_445 = arith.constant 1 : i32
    "tpu.region"() ({
      %run_scoped3A_969 = tpu.sem_alloc : memref<!tpu.dma_semaphore, #tpu.memory_space<semaphore_mem>>
      %dma_start3A = arith.constant 0 : i32
      %dma_start3A_970 = tpu.memref_slice %arg5[%run_scoped3A_445, %dma_start3A] : memref<4x128xi32, #tpu.memory_space<vmem>> -> memref<1x128xi32, #tpu.memory_space<vmem>>
      %dma_start3A_971 = tpu.memref_squeeze %dma_start3A_970 : memref<1x128xi32, #tpu.memory_space<vmem>> -> memref<128xi32, #tpu.memory_space<vmem>>
      %dma_start3A_972 = arith.constant 0 : i32
      %dma_start3A_973 = tpu.memref_slice %arg11[%dma_start3A_972] : memref<1024xf32, #tpu.memory_space<vmem_shared>> -> memref<1024xf32, #tpu.memory_space<vmem_shared>>
      tpu.enqueue_indirect_dma source(%arg7 : memref<128xf32, #tpu.memory_space<vmem>>) target(%dma_start3A_973 : memref<1024xf32, #tpu.memory_space<vmem_shared>>) offsets(%dma_start3A_971 : memref<128xi32, #tpu.memory_space<vmem>>) semaphore(%run_scoped3A_969 : memref<!tpu.dma_semaphore, #tpu.memory_space<semaphore_mem>>) {add = true}
      %dma_wait3A = arith.constant 0 : i32
      %dma_wait3A_974 = tpu.memref_slice %arg5[%run_scoped3A_445, %dma_wait3A] : memref<4x128xi32, #tpu.memory_space<vmem>> -> memref<1x128xi32, #tpu.memory_space<vmem>>
      %dma_wait3A_975 = tpu.memref_squeeze %dma_wait3A_974 : memref<1x128xi32, #tpu.memory_space<vmem>> -> memref<128xi32, #tpu.memory_space<vmem>>
      %dma_wait3A_976 = arith.constant 0 : i32
      %dma_wait3A_977 = tpu.memref_slice %arg11[%dma_wait3A_976] : memref<1024xf32, #tpu.memory_space<vmem_shared>> -> memref<1024xf32, #tpu.memory_space<vmem_shared>>
      tpu.wait_indirect_dma semaphore(%run_scoped3A_969 : memref<!tpu.dma_semaphore, #tpu.memory_space<semaphore_mem>>) src(%arg7 : memref<128xf32, #tpu.memory_space<vmem>>) dst(%dma_wait3A_977 : memref<1024xf32, #tpu.memory_space<vmem_shared>>)
      tpu.yield
    }) : () -> ()
    %run_scoped3A_446 = arith.constant 2 : i32
    "tpu.region"() ({
      %run_scoped3A_969 = tpu.sem_alloc : memref<!tpu.dma_semaphore, #tpu.memory_space<semaphore_mem>>
      %dma_start3A = arith.constant 0 : i32
      %dma_start3A_970 = tpu.memref_slice %arg5[%run_scoped3A_446, %dma_start3A] : memref<4x128xi32, #tpu.memory_space<vmem>> -> memref<1x128xi32, #tpu.memory_space<vmem>>
      %dma_start3A_971 = tpu.memref_squeeze %dma_start3A_970 : memref<1x128xi32, #tpu.memory_space<vmem>> -> memref<128xi32, #tpu.memory_space<vmem>>
      %dma_start3A_972 = arith.constant 0 : i32
      %dma_start3A_973 = tpu.memref_slice %arg11[%dma_start3A_972] : memref<1024xf32, #tpu.memory_space<vmem_shared>> -> memref<1024xf32, #tpu.memory_space<vmem_shared>>
      tpu.enqueue_indirect_dma source(%arg7 : memref<128xf32, #tpu.memory_space<vmem>>) target(%dma_start3A_973 : memref<1024xf32, #tpu.memory_space<vmem_shared>>) offsets(%dma_start3A_971 : memref<128xi32, #tpu.memory_space<vmem>>) semaphore(%run_scoped3A_969 : memref<!tpu.dma_semaphore, #tpu.memory_space<semaphore_mem>>) {add = true}
      %dma_wait3A = arith.constant 0 : i32
      %dma_wait3A_974 = tpu.memref_slice %arg5[%run_scoped3A_446, %dma_wait3A] : memref<4x128xi32, #tpu.memory_space<vmem>> -> memref<1x128xi32, #tpu.memory_space<vmem>>
      %dma_wait3A_975 = tpu.memref_squeeze %dma_wait3A_974 : memref<1x128xi32, #tpu.memory_space<vmem>> -> memref<128xi32, #tpu.memory_space<vmem>>
      %dma_wait3A_976 = arith.constant 0 : i32
      %dma_wait3A_977 = tpu.memref_slice %arg11[%dma_wait3A_976] : memref<1024xf32, #tpu.memory_space<vmem_shared>> -> memref<1024xf32, #tpu.memory_space<vmem_shared>>
      tpu.wait_indirect_dma semaphore(%run_scoped3A_969 : memref<!tpu.dma_semaphore, #tpu.memory_space<semaphore_mem>>) src(%arg7 : memref<128xf32, #tpu.memory_space<vmem>>) dst(%dma_wait3A_977 : memref<1024xf32, #tpu.memory_space<vmem_shared>>)
      tpu.yield
    }) : () -> ()
    %run_scoped3A_447 = arith.constant 3 : i32
    "tpu.region"() ({
      %run_scoped3A_969 = tpu.sem_alloc : memref<!tpu.dma_semaphore, #tpu.memory_space<semaphore_mem>>
      %dma_start3A = arith.constant 0 : i32
      %dma_start3A_970 = tpu.memref_slice %arg5[%run_scoped3A_447, %dma_start3A] : memref<4x128xi32, #tpu.memory_space<vmem>> -> memref<1x128xi32, #tpu.memory_space<vmem>>
      %dma_start3A_971 = tpu.memref_squeeze %dma_start3A_970 : memref<1x128xi32, #tpu.memory_space<vmem>> -> memref<128xi32, #tpu.memory_space<vmem>>
      %dma_start3A_972 = arith.constant 0 : i32
      %dma_start3A_973 = tpu.memref_slice %arg11[%dma_start3A_972] : memref<1024xf32, #tpu.memory_space<vmem_shared>> -> memref<1024xf32, #tpu.memory_space<vmem_shared>>
      tpu.enqueue_indirect_dma source(%arg7 : memref<128xf32, #tpu.memory_space<vmem>>) target(%dma_start3A_973 : memref<1024xf32, #tpu.memory_space<vmem_shared>>) offsets(%dma_start3A_971 : memref<128xi32, #tpu.memory_space<vmem>>) semaphore(%run_scoped3A_969 : memref<!tpu.dma_semaphore, #tpu.memory_space<semaphore_mem>>) {add = true}
      %dma_wait3A = arith.constant 0 : i32
      %dma_wait3A_974 = tpu.memref_slice %arg5[%run_scoped3A_447, %dma_wait3A] : memref<4x128xi32, #tpu.memory_space<vmem>> -> memref<1x128xi32, #tpu.memory_space<vmem>>
      %dma_wait3A_975 = tpu.memref_squeeze %dma_wait3A_974 : memref<1x128xi32, #tpu.memory_space<vmem>> -> memref<128xi32, #tpu.memory_space<vmem>>
      %dma_wait3A_976 = arith.constant 0 : i32
      %dma_wait3A_977 = tpu.memref_slice %arg11[%dma_wait3A_976] : memref<1024xf32, #tpu.memory_space<vmem_shared>> -> memref<1024xf32, #tpu.memory_space<vmem_shared>>
      tpu.wait_indirect_dma semaphore(%run_scoped3A_969 : memref<!tpu.dma_semaphore, #tpu.memory_space<semaphore_mem>>) src(%arg7 : memref<128xf32, #tpu.memory_space<vmem>>) dst(%dma_wait3A_977 : memref<1024xf32, #tpu.memory_space<vmem_shared>>)
      tpu.yield
    }) : () -> ()
    %barrier3A_448 = arith.constant 0 : index
    tpu.barrier barrier_id(%barrier3A_448)
    %eq3A_449 = arith.constant 0 : i32
    %eq3A_450 = arith.cmpi eq, %arg1, %eq3A_449 : i32
    %convert_element_type3A_451 = arith.extui %eq3A_450 : i1 to i32
    %cond3A_452 = arith.constant 0 : i32
    %cond3A_453 = arith.cmpi ne, %convert_element_type3A_451, %cond3A_452 : i32
    scf.if %cond3A_453 {
      "tpu.region"() ({
        %run_scoped3A_969 = tpu.sem_alloc : memref<!tpu.dma_semaphore, #tpu.memory_space<semaphore_mem>>
        %dma_start3A = arith.constant 0 : i32
        %dma_start3A_970 = tpu.memref_slice %arg4[%arg0, %dma_start3A] : memref<2x1024xf32, #tpu.memory_space<hbm>> -> memref<1x1024xf32, #tpu.memory_space<hbm>>
        %dma_start3A_971 = tpu.memref_squeeze %dma_start3A_970 : memref<1x1024xf32, #tpu.memory_space<hbm>> -> memref<1024xf32, #tpu.memory_space<hbm>>
        tpu.enqueue_dma source(%arg11 : memref<1024xf32, #tpu.memory_space<vmem_shared>>) target(%dma_start3A_971 : memref<1024xf32, #tpu.memory_space<hbm>>) target_semaphore(%run_scoped3A_969 : memref<!tpu.dma_semaphore, #tpu.memory_space<semaphore_mem>>)
        %dma_wait3A = arith.constant 0 : i32
        %dma_wait3A_972 = tpu.memref_slice %arg4[%arg0, %dma_wait3A] : memref<2x1024xf32, #tpu.memory_space<hbm>> -> memref<1x1024xf32, #tpu.memory_space<hbm>>
        %dma_wait3A_973 = tpu.memref_squeeze %dma_wait3A_972 : memref<1x1024xf32, #tpu.memory_space<hbm>> -> memref<1024xf32, #tpu.memory_space<hbm>>
        tpu.wait_dma2 semaphore(%run_scoped3A_969 : memref<!tpu.dma_semaphore, #tpu.memory_space<semaphore_mem>>) src(%arg11 : memref<1024xf32, #tpu.memory_space<vmem_shared>>) dst(%dma_wait3A_973 : memref<1024xf32, #tpu.memory_space<hbm>>)
        tpu.yield
      }) : () -> ()
    } else {
    }
    %barrier3A_454 = arith.constant 0 : index
    tpu.barrier barrier_id(%barrier3A_454)
    %run_scoped3A_455 = arith.constant 0 : i32
    "tpu.region"() ({
      %run_scoped3A_969 = tpu.sem_alloc : memref<!tpu.dma_semaphore, #tpu.memory_space<semaphore_mem>>
      %dma_start3A = arith.constant 0 : i32
      %dma_start3A_970 = tpu.memref_slice %arg9[%dma_start3A] : memref<512xf32, #tpu.memory_space<vmem>> -> memref<128xf32, #tpu.memory_space<vmem>>
      %dma_start3A_971 = arith.constant 0 : i32
      %dma_start3A_972 = tpu.memref_slice %arg6[%run_scoped3A_455, %dma_start3A_971] : memref<4x128xi32, #tpu.memory_space<vmem>> -> memref<1x128xi32, #tpu.memory_space<vmem>>
      %dma_start3A_973 = tpu.memref_squeeze %dma_start3A_972 : memref<1x128xi32, #tpu.memory_space<vmem>> -> memref<128xi32, #tpu.memory_space<vmem>>
      %dma_start3A_974 = arith.constant 0 : i32
      %dma_start3A_975 = tpu.memref_slice %arg11[%dma_start3A_974] : memref<1024xf32, #tpu.memory_space<vmem_shared>> -> memref<1024xf32, #tpu.memory_space<vmem_shared>>
      tpu.enqueue_indirect_dma source(%dma_start3A_975 : memref<1024xf32, #tpu.memory_space<vmem_shared>>) target(%dma_start3A_970 : memref<128xf32, #tpu.memory_space<vmem>>) offsets(%dma_start3A_973 : memref<128xi32, #tpu.memory_space<vmem>>) semaphore(%run_scoped3A_969 : memref<!tpu.dma_semaphore, #tpu.memory_space<semaphore_mem>>)
      %dma_wait3A = arith.constant 0 : i32
      %dma_wait3A_976 = tpu.memref_slice %arg9[%dma_wait3A] : memref<512xf32, #tpu.memory_space<vmem>> -> memref<128xf32, #tpu.memory_space<vmem>>
      %dma_wait3A_977 = arith.constant 0 : i32
      %dma_wait3A_978 = tpu.memref_slice %arg6[%run_scoped3A_455, %dma_wait3A_977] : memref<4x128xi32, #tpu.memory_space<vmem>> -> memref<1x128xi32, #tpu.memory_space<vmem>>
      %dma_wait3A_979 = tpu.memref_squeeze %dma_wait3A_978 : memref<1x128xi32, #tpu.memory_space<vmem>> -> memref<128xi32, #tpu.memory_space<vmem>>
      %dma_wait3A_980 = arith.constant 0 : i32
      %dma_wait3A_981 = tpu.memref_slice %arg11[%dma_wait3A_980] : memref<1024xf32, #tpu.memory_space<vmem_shared>> -> memref<1024xf32, #tpu.memory_space<vmem_shared>>
      tpu.wait_indirect_dma semaphore(%run_scoped3A_969 : memref<!tpu.dma_semaphore, #tpu.memory_space<semaphore_mem>>) src(%dma_wait3A_981 : memref<1024xf32, #tpu.memory_space<vmem_shared>>) dst(%dma_wait3A_976 : memref<128xf32, #tpu.memory_space<vmem>>)
      tpu.yield
    }) : () -> ()
    %run_scoped3A_456 = arith.constant 1 : i32
    "tpu.region"() ({
      %run_scoped3A_969 = tpu.sem_alloc : memref<!tpu.dma_semaphore, #tpu.memory_space<semaphore_mem>>
      %dma_start3A = arith.constant 128 : i32
      %dma_start3A_970 = tpu.memref_slice %arg9[%dma_start3A] : memref<512xf32, #tpu.memory_space<vmem>> -> memref<128xf32, #tpu.memory_space<vmem>>
      %dma_start3A_971 = arith.constant 0 : i32
      %dma_start3A_972 = tpu.memref_slice %arg6[%run_scoped3A_456, %dma_start3A_971] : memref<4x128xi32, #tpu.memory_space<vmem>> -> memref<1x128xi32, #tpu.memory_space<vmem>>
      %dma_start3A_973 = tpu.memref_squeeze %dma_start3A_972 : memref<1x128xi32, #tpu.memory_space<vmem>> -> memref<128xi32, #tpu.memory_space<vmem>>
      %dma_start3A_974 = arith.constant 0 : i32
      %dma_start3A_975 = tpu.memref_slice %arg11[%dma_start3A_974] : memref<1024xf32, #tpu.memory_space<vmem_shared>> -> memref<1024xf32, #tpu.memory_space<vmem_shared>>
      tpu.enqueue_indirect_dma source(%dma_start3A_975 : memref<1024xf32, #tpu.memory_space<vmem_shared>>) target(%dma_start3A_970 : memref<128xf32, #tpu.memory_space<vmem>>) offsets(%dma_start3A_973 : memref<128xi32, #tpu.memory_space<vmem>>) semaphore(%run_scoped3A_969 : memref<!tpu.dma_semaphore, #tpu.memory_space<semaphore_mem>>)
      %dma_wait3A = arith.constant 128 : i32
      %dma_wait3A_976 = tpu.memref_slice %arg9[%dma_wait3A] : memref<512xf32, #tpu.memory_space<vmem>> -> memref<128xf32, #tpu.memory_space<vmem>>
      %dma_wait3A_977 = arith.constant 0 : i32
      %dma_wait3A_978 = tpu.memref_slice %arg6[%run_scoped3A_456, %dma_wait3A_977] : memref<4x128xi32, #tpu.memory_space<vmem>> -> memref<1x128xi32, #tpu.memory_space<vmem>>
      %dma_wait3A_979 = tpu.memref_squeeze %dma_wait3A_978 : memref<1x128xi32, #tpu.memory_space<vmem>> -> memref<128xi32, #tpu.memory_space<vmem>>
      %dma_wait3A_980 = arith.constant 0 : i32
      %dma_wait3A_981 = tpu.memref_slice %arg11[%dma_wait3A_980] : memref<1024xf32, #tpu.memory_space<vmem_shared>> -> memref<1024xf32, #tpu.memory_space<vmem_shared>>
      tpu.wait_indirect_dma semaphore(%run_scoped3A_969 : memref<!tpu.dma_semaphore, #tpu.memory_space<semaphore_mem>>) src(%dma_wait3A_981 : memref<1024xf32, #tpu.memory_space<vmem_shared>>) dst(%dma_wait3A_976 : memref<128xf32, #tpu.memory_space<vmem>>)
      tpu.yield
    }) : () -> ()
    %run_scoped3A_457 = arith.constant 2 : i32
    "tpu.region"() ({
      %run_scoped3A_969 = tpu.sem_alloc : memref<!tpu.dma_semaphore, #tpu.memory_space<semaphore_mem>>
      %dma_start3A = arith.constant 256 : i32
      %dma_start3A_970 = tpu.memref_slice %arg9[%dma_start3A] : memref<512xf32, #tpu.memory_space<vmem>> -> memref<128xf32, #tpu.memory_space<vmem>>
      %dma_start3A_971 = arith.constant 0 : i32
      %dma_start3A_972 = tpu.memref_slice %arg6[%run_scoped3A_457, %dma_start3A_971] : memref<4x128xi32, #tpu.memory_space<vmem>> -> memref<1x128xi32, #tpu.memory_space<vmem>>
      %dma_start3A_973 = tpu.memref_squeeze %dma_start3A_972 : memref<1x128xi32, #tpu.memory_space<vmem>> -> memref<128xi32, #tpu.memory_space<vmem>>
      %dma_start3A_974 = arith.constant 0 : i32
      %dma_start3A_975 = tpu.memref_slice %arg11[%dma_start3A_974] : memref<1024xf32, #tpu.memory_space<vmem_shared>> -> memref<1024xf32, #tpu.memory_space<vmem_shared>>
      tpu.enqueue_indirect_dma source(%dma_start3A_975 : memref<1024xf32, #tpu.memory_space<vmem_shared>>) target(%dma_start3A_970 : memref<128xf32, #tpu.memory_space<vmem>>) offsets(%dma_start3A_973 : memref<128xi32, #tpu.memory_space<vmem>>) semaphore(%run_scoped3A_969 : memref<!tpu.dma_semaphore, #tpu.memory_space<semaphore_mem>>)
      %dma_wait3A = arith.constant 256 : i32
      %dma_wait3A_976 = tpu.memref_slice %arg9[%dma_wait3A] : memref<512xf32, #tpu.memory_space<vmem>> -> memref<128xf32, #tpu.memory_space<vmem>>
      %dma_wait3A_977 = arith.constant 0 : i32
      %dma_wait3A_978 = tpu.memref_slice %arg6[%run_scoped3A_457, %dma_wait3A_977] : memref<4x128xi32, #tpu.memory_space<vmem>> -> memref<1x128xi32, #tpu.memory_space<vmem>>
      %dma_wait3A_979 = tpu.memref_squeeze %dma_wait3A_978 : memref<1x128xi32, #tpu.memory_space<vmem>> -> memref<128xi32, #tpu.memory_space<vmem>>
      %dma_wait3A_980 = arith.constant 0 : i32
      %dma_wait3A_981 = tpu.memref_slice %arg11[%dma_wait3A_980] : memref<1024xf32, #tpu.memory_space<vmem_shared>> -> memref<1024xf32, #tpu.memory_space<vmem_shared>>
      tpu.wait_indirect_dma semaphore(%run_scoped3A_969 : memref<!tpu.dma_semaphore, #tpu.memory_space<semaphore_mem>>) src(%dma_wait3A_981 : memref<1024xf32, #tpu.memory_space<vmem_shared>>) dst(%dma_wait3A_976 : memref<128xf32, #tpu.memory_space<vmem>>)
      tpu.yield
    }) : () -> ()
    %run_scoped3A_458 = arith.constant 3 : i32
    "tpu.region"() ({
      %run_scoped3A_969 = tpu.sem_alloc : memref<!tpu.dma_semaphore, #tpu.memory_space<semaphore_mem>>
      %dma_start3A = arith.constant 384 : i32
      %dma_start3A_970 = tpu.memref_slice %arg9[%dma_start3A] : memref<512xf32, #tpu.memory_space<vmem>> -> memref<128xf32, #tpu.memory_space<vmem>>
      %dma_start3A_971 = arith.constant 0 : i32
      %dma_start3A_972 = tpu.memref_slice %arg6[%run_scoped3A_458, %dma_start3A_971] : memref<4x128xi32, #tpu.memory_space<vmem>> -> memref<1x128xi32, #tpu.memory_space<vmem>>
      %dma_start3A_973 = tpu.memref_squeeze %dma_start3A_972 : memref<1x128xi32, #tpu.memory_space<vmem>> -> memref<128xi32, #tpu.memory_space<vmem>>
      %dma_start3A_974 = arith.constant 0 : i32
      %dma_start3A_975 = tpu.memref_slice %arg11[%dma_start3A_974] : memref<1024xf32, #tpu.memory_space<vmem_shared>> -> memref<1024xf32, #tpu.memory_space<vmem_shared>>
      tpu.enqueue_indirect_dma source(%dma_start3A_975 : memref<1024xf32, #tpu.memory_space<vmem_shared>>) target(%dma_start3A_970 : memref<128xf32, #tpu.memory_space<vmem>>) offsets(%dma_start3A_973 : memref<128xi32, #tpu.memory_space<vmem>>) semaphore(%run_scoped3A_969 : memref<!tpu.dma_semaphore, #tpu.memory_space<semaphore_mem>>)
      %dma_wait3A = arith.constant 384 : i32
      %dma_wait3A_976 = tpu.memref_slice %arg9[%dma_wait3A] : memref<512xf32, #tpu.memory_space<vmem>> -> memref<128xf32, #tpu.memory_space<vmem>>
      %dma_wait3A_977 = arith.constant 0 : i32
      %dma_wait3A_978 = tpu.memref_slice %arg6[%run_scoped3A_458, %dma_wait3A_977] : memref<4x128xi32, #tpu.memory_space<vmem>> -> memref<1x128xi32, #tpu.memory_space<vmem>>
      %dma_wait3A_979 = tpu.memref_squeeze %dma_wait3A_978 : memref<1x128xi32, #tpu.memory_space<vmem>> -> memref<128xi32, #tpu.memory_space<vmem>>
      %dma_wait3A_980 = arith.constant 0 : i32
      %dma_wait3A_981 = tpu.memref_slice %arg11[%dma_wait3A_980] : memref<1024xf32, #tpu.memory_space<vmem_shared>> -> memref<1024xf32, #tpu.memory_space<vmem_shared>>
      tpu.wait_indirect_dma semaphore(%run_scoped3A_969 : memref<!tpu.dma_semaphore, #tpu.memory_space<semaphore_mem>>) src(%dma_wait3A_981 : memref<1024xf32, #tpu.memory_space<vmem_shared>>) dst(%dma_wait3A_976 : memref<128xf32, #tpu.memory_space<vmem>>)
      tpu.yield
    }) : () -> ()
    %get3A = arith.constant 0 : index
    %get3A_459 = tpu.vector_load %arg9[%get3A] {strides = array<i32>} : memref<512xf32, #tpu.memory_space<vmem>>, vector<16xf32>,
    %get3A_460 = vector.shape_cast %get3A_459 : vector<16xf32> to vector<16xf32>
    %mul3A_461 = arith.constant 6.10351563E-5 : f32
    %mul3A_462 = vector.broadcast %mul3A_461 : f32 to vector<16xf32>
    %mul3A_463 = arith.mulf %get3A_460, %mul3A_462 : vector<16xf32>
    %add3A_464 = arith.constant 9.99999974E-6 : f32
    %add3A_465 = vector.broadcast %add3A_464 : f32 to vector<16xf32>
    %add3A_466 = arith.addf %mul3A_463, %add3A_465 : vector<16xf32>
    %div3A = arith.constant 1.000000e+00 : f32
    %div3A_467 = vector.broadcast %div3A : f32 to vector<16xf32>
    %div3A_468 = arith.divf %div3A_467, %add3A_466 : vector<16xf32>
    %swap3A_469 = arith.constant 0 : index
    %swap3A_470 = tpu.vector_load %arg10[%swap3A_469] {strides = array<i32>} : memref<512xf32, #tpu.memory_space<vmem>>, vector<16xf32>,
    %swap3A_471 = vector.shape_cast %swap3A_470 : vector<16xf32> to vector<16xf32>
    %swap3A_472 = vector.shape_cast %div3A_468 : vector<16xf32> to vector<16xf32>
    tpu.vector_store %arg10[%swap3A_469], %swap3A_472 {strides = array<i32>} : memref<512xf32, #tpu.memory_space<vmem>>, vector<16xf32>,
    %get3A_473 = arith.constant 16 : index
    %get3A_474 = tpu.vector_load %arg9[%get3A_473] {strides = array<i32>} : memref<512xf32, #tpu.memory_space<vmem>>, vector<16xf32>,
    %get3A_475 = vector.shape_cast %get3A_474 : vector<16xf32> to vector<16xf32>
    %mul3A_476 = arith.constant 6.10351563E-5 : f32
    %mul3A_477 = vector.broadcast %mul3A_476 : f32 to vector<16xf32>
    %mul3A_478 = arith.mulf %get3A_475, %mul3A_477 : vector<16xf32>
    %add3A_479 = arith.constant 9.99999974E-6 : f32
    %add3A_480 = vector.broadcast %add3A_479 : f32 to vector<16xf32>
    %add3A_481 = arith.addf %mul3A_478, %add3A_480 : vector<16xf32>
    %div3A_482 = arith.constant 1.000000e+00 : f32
    %div3A_483 = vector.broadcast %div3A_482 : f32 to vector<16xf32>
    %div3A_484 = arith.divf %div3A_483, %add3A_481 : vector<16xf32>
    %swap3A_485 = arith.constant 16 : index
    %swap3A_486 = tpu.vector_load %arg10[%swap3A_485] {strides = array<i32>} : memref<512xf32, #tpu.memory_space<vmem>>, vector<16xf32>,
    %swap3A_487 = vector.shape_cast %swap3A_486 : vector<16xf32> to vector<16xf32>
    %swap3A_488 = vector.shape_cast %div3A_484 : vector<16xf32> to vector<16xf32>
    tpu.vector_store %arg10[%swap3A_485], %swap3A_488 {strides = array<i32>} : memref<512xf32, #tpu.memory_space<vmem>>, vector<16xf32>,
    %get3A_489 = arith.constant 32 : index
    %get3A_490 = tpu.vector_load %arg9[%get3A_489] {strides = array<i32>} : memref<512xf32, #tpu.memory_space<vmem>>, vector<16xf32>,
    %get3A_491 = vector.shape_cast %get3A_490 : vector<16xf32> to vector<16xf32>
    %mul3A_492 = arith.constant 6.10351563E-5 : f32
    %mul3A_493 = vector.broadcast %mul3A_492 : f32 to vector<16xf32>
    %mul3A_494 = arith.mulf %get3A_491, %mul3A_493 : vector<16xf32>
    %add3A_495 = arith.constant 9.99999974E-6 : f32
    %add3A_496 = vector.broadcast %add3A_495 : f32 to vector<16xf32>
    %add3A_497 = arith.addf %mul3A_494, %add3A_496 : vector<16xf32>
    %div3A_498 = arith.constant 1.000000e+00 : f32
    %div3A_499 = vector.broadcast %div3A_498 : f32 to vector<16xf32>
    %div3A_500 = arith.divf %div3A_499, %add3A_497 : vector<16xf32>
    %swap3A_501 = arith.constant 32 : index
    %swap3A_502 = tpu.vector_load %arg10[%swap3A_501] {strides = array<i32>} : memref<512xf32, #tpu.memory_space<vmem>>, vector<16xf32>,
    %swap3A_503 = vector.shape_cast %swap3A_502 : vector<16xf32> to vector<16xf32>
    %swap3A_504 = vector.shape_cast %div3A_500 : vector<16xf32> to vector<16xf32>
    tpu.vector_store %arg10[%swap3A_501], %swap3A_504 {strides = array<i32>} : memref<512xf32, #tpu.memory_space<vmem>>, vector<16xf32>,
    %get3A_505 = arith.constant 48 : index
    %get3A_506 = tpu.vector_load %arg9[%get3A_505] {strides = array<i32>} : memref<512xf32, #tpu.memory_space<vmem>>, vector<16xf32>,
    %get3A_507 = vector.shape_cast %get3A_506 : vector<16xf32> to vector<16xf32>
    %mul3A_508 = arith.constant 6.10351563E-5 : f32
    %mul3A_509 = vector.broadcast %mul3A_508 : f32 to vector<16xf32>
    %mul3A_510 = arith.mulf %get3A_507, %mul3A_509 : vector<16xf32>
    %add3A_511 = arith.constant 9.99999974E-6 : f32
    %add3A_512 = vector.broadcast %add3A_511 : f32 to vector<16xf32>
    %add3A_513 = arith.addf %mul3A_510, %add3A_512 : vector<16xf32>
    %div3A_514 = arith.constant 1.000000e+00 : f32
    %div3A_515 = vector.broadcast %div3A_514 : f32 to vector<16xf32>
    %div3A_516 = arith.divf %div3A_515, %add3A_513 : vector<16xf32>
    %swap3A_517 = arith.constant 48 : index
    %swap3A_518 = tpu.vector_load %arg10[%swap3A_517] {strides = array<i32>} : memref<512xf32, #tpu.memory_space<vmem>>, vector<16xf32>,
    %swap3A_519 = vector.shape_cast %swap3A_518 : vector<16xf32> to vector<16xf32>
    %swap3A_520 = vector.shape_cast %div3A_516 : vector<16xf32> to vector<16xf32>
    tpu.vector_store %arg10[%swap3A_517], %swap3A_520 {strides = array<i32>} : memref<512xf32, #tpu.memory_space<vmem>>, vector<16xf32>,
    %get3A_521 = arith.constant 64 : index
    %get3A_522 = tpu.vector_load %arg9[%get3A_521] {strides = array<i32>} : memref<512xf32, #tpu.memory_space<vmem>>, vector<16xf32>,
    %get3A_523 = vector.shape_cast %get3A_522 : vector<16xf32> to vector<16xf32>
    %mul3A_524 = arith.constant 6.10351563E-5 : f32
    %mul3A_525 = vector.broadcast %mul3A_524 : f32 to vector<16xf32>
    %mul3A_526 = arith.mulf %get3A_523, %mul3A_525 : vector<16xf32>
    %add3A_527 = arith.constant 9.99999974E-6 : f32
    %add3A_528 = vector.broadcast %add3A_527 : f32 to vector<16xf32>
    %add3A_529 = arith.addf %mul3A_526, %add3A_528 : vector<16xf32>
    %div3A_530 = arith.constant 1.000000e+00 : f32
    %div3A_531 = vector.broadcast %div3A_530 : f32 to vector<16xf32>
    %div3A_532 = arith.divf %div3A_531, %add3A_529 : vector<16xf32>
    %swap3A_533 = arith.constant 64 : index
    %swap3A_534 = tpu.vector_load %arg10[%swap3A_533] {strides = array<i32>} : memref<512xf32, #tpu.memory_space<vmem>>, vector<16xf32>,
    %swap3A_535 = vector.shape_cast %swap3A_534 : vector<16xf32> to vector<16xf32>
    %swap3A_536 = vector.shape_cast %div3A_532 : vector<16xf32> to vector<16xf32>
    tpu.vector_store %arg10[%swap3A_533], %swap3A_536 {strides = array<i32>} : memref<512xf32, #tpu.memory_space<vmem>>, vector<16xf32>,
    %get3A_537 = arith.constant 80 : index
    %get3A_538 = tpu.vector_load %arg9[%get3A_537] {strides = array<i32>} : memref<512xf32, #tpu.memory_space<vmem>>, vector<16xf32>,
    %get3A_539 = vector.shape_cast %get3A_538 : vector<16xf32> to vector<16xf32>
    %mul3A_540 = arith.constant 6.10351563E-5 : f32
    %mul3A_541 = vector.broadcast %mul3A_540 : f32 to vector<16xf32>
    %mul3A_542 = arith.mulf %get3A_539, %mul3A_541 : vector<16xf32>
    %add3A_543 = arith.constant 9.99999974E-6 : f32
    %add3A_544 = vector.broadcast %add3A_543 : f32 to vector<16xf32>
    %add3A_545 = arith.addf %mul3A_542, %add3A_544 : vector<16xf32>
    %div3A_546 = arith.constant 1.000000e+00 : f32
    %div3A_547 = vector.broadcast %div3A_546 : f32 to vector<16xf32>
    %div3A_548 = arith.divf %div3A_547, %add3A_545 : vector<16xf32>
    %swap3A_549 = arith.constant 80 : index
    %swap3A_550 = tpu.vector_load %arg10[%swap3A_549] {strides = array<i32>} : memref<512xf32, #tpu.memory_space<vmem>>, vector<16xf32>,
    %swap3A_551 = vector.shape_cast %swap3A_550 : vector<16xf32> to vector<16xf32>
    %swap3A_552 = vector.shape_cast %div3A_548 : vector<16xf32> to vector<16xf32>
    tpu.vector_store %arg10[%swap3A_549], %swap3A_552 {strides = array<i32>} : memref<512xf32, #tpu.memory_space<vmem>>, vector<16xf32>,
    %get3A_553 = arith.constant 96 : index
    %get3A_554 = tpu.vector_load %arg9[%get3A_553] {strides = array<i32>} : memref<512xf32, #tpu.memory_space<vmem>>, vector<16xf32>,
    %get3A_555 = vector.shape_cast %get3A_554 : vector<16xf32> to vector<16xf32>
    %mul3A_556 = arith.constant 6.10351563E-5 : f32
    %mul3A_557 = vector.broadcast %mul3A_556 : f32 to vector<16xf32>
    %mul3A_558 = arith.mulf %get3A_555, %mul3A_557 : vector<16xf32>
    %add3A_559 = arith.constant 9.99999974E-6 : f32
    %add3A_560 = vector.broadcast %add3A_559 : f32 to vector<16xf32>
    %add3A_561 = arith.addf %mul3A_558, %add3A_560 : vector<16xf32>
    %div3A_562 = arith.constant 1.000000e+00 : f32
    %div3A_563 = vector.broadcast %div3A_562 : f32 to vector<16xf32>
    %div3A_564 = arith.divf %div3A_563, %add3A_561 : vector<16xf32>
    %swap3A_565 = arith.constant 96 : index
    %swap3A_566 = tpu.vector_load %arg10[%swap3A_565] {strides = array<i32>} : memref<512xf32, #tpu.memory_space<vmem>>, vector<16xf32>,
    %swap3A_567 = vector.shape_cast %swap3A_566 : vector<16xf32> to vector<16xf32>
    %swap3A_568 = vector.shape_cast %div3A_564 : vector<16xf32> to vector<16xf32>
    tpu.vector_store %arg10[%swap3A_565], %swap3A_568 {strides = array<i32>} : memref<512xf32, #tpu.memory_space<vmem>>, vector<16xf32>,
    %get3A_569 = arith.constant 112 : index
    %get3A_570 = tpu.vector_load %arg9[%get3A_569] {strides = array<i32>} : memref<512xf32, #tpu.memory_space<vmem>>, vector<16xf32>,
    %get3A_571 = vector.shape_cast %get3A_570 : vector<16xf32> to vector<16xf32>
    %mul3A_572 = arith.constant 6.10351563E-5 : f32
    %mul3A_573 = vector.broadcast %mul3A_572 : f32 to vector<16xf32>
    %mul3A_574 = arith.mulf %get3A_571, %mul3A_573 : vector<16xf32>
    %add3A_575 = arith.constant 9.99999974E-6 : f32
    %add3A_576 = vector.broadcast %add3A_575 : f32 to vector<16xf32>
    %add3A_577 = arith.addf %mul3A_574, %add3A_576 : vector<16xf32>
    %div3A_578 = arith.constant 1.000000e+00 : f32
    %div3A_579 = vector.broadcast %div3A_578 : f32 to vector<16xf32>
    %div3A_580 = arith.divf %div3A_579, %add3A_577 : vector<16xf32>
    %swap3A_581 = arith.constant 112 : index
    %swap3A_582 = tpu.vector_load %arg10[%swap3A_581] {strides = array<i32>} : memref<512xf32, #tpu.memory_space<vmem>>, vector<16xf32>,
    %swap3A_583 = vector.shape_cast %swap3A_582 : vector<16xf32> to vector<16xf32>
    %swap3A_584 = vector.shape_cast %div3A_580 : vector<16xf32> to vector<16xf32>
    tpu.vector_store %arg10[%swap3A_581], %swap3A_584 {strides = array<i32>} : memref<512xf32, #tpu.memory_space<vmem>>, vector<16xf32>,
    %get3A_585 = arith.constant 128 : index
    %get3A_586 = tpu.vector_load %arg9[%get3A_585] {strides = array<i32>} : memref<512xf32, #tpu.memory_space<vmem>>, vector<16xf32>,
    %get3A_587 = vector.shape_cast %get3A_586 : vector<16xf32> to vector<16xf32>
    %mul3A_588 = arith.constant 6.10351563E-5 : f32
    %mul3A_589 = vector.broadcast %mul3A_588 : f32 to vector<16xf32>
    %mul3A_590 = arith.mulf %get3A_587, %mul3A_589 : vector<16xf32>
    %add3A_591 = arith.constant 9.99999974E-6 : f32
    %add3A_592 = vector.broadcast %add3A_591 : f32 to vector<16xf32>
    %add3A_593 = arith.addf %mul3A_590, %add3A_592 : vector<16xf32>
    %div3A_594 = arith.constant 1.000000e+00 : f32
    %div3A_595 = vector.broadcast %div3A_594 : f32 to vector<16xf32>
    %div3A_596 = arith.divf %div3A_595, %add3A_593 : vector<16xf32>
    %swap3A_597 = arith.constant 128 : index
    %swap3A_598 = tpu.vector_load %arg10[%swap3A_597] {strides = array<i32>} : memref<512xf32, #tpu.memory_space<vmem>>, vector<16xf32>,
    %swap3A_599 = vector.shape_cast %swap3A_598 : vector<16xf32> to vector<16xf32>
    %swap3A_600 = vector.shape_cast %div3A_596 : vector<16xf32> to vector<16xf32>
    tpu.vector_store %arg10[%swap3A_597], %swap3A_600 {strides = array<i32>} : memref<512xf32, #tpu.memory_space<vmem>>, vector<16xf32>,
    %get3A_601 = arith.constant 144 : index
    %get3A_602 = tpu.vector_load %arg9[%get3A_601] {strides = array<i32>} : memref<512xf32, #tpu.memory_space<vmem>>, vector<16xf32>,
    %get3A_603 = vector.shape_cast %get3A_602 : vector<16xf32> to vector<16xf32>
    %mul3A_604 = arith.constant 6.10351563E-5 : f32
    %mul3A_605 = vector.broadcast %mul3A_604 : f32 to vector<16xf32>
    %mul3A_606 = arith.mulf %get3A_603, %mul3A_605 : vector<16xf32>
    %add3A_607 = arith.constant 9.99999974E-6 : f32
    %add3A_608 = vector.broadcast %add3A_607 : f32 to vector<16xf32>
    %add3A_609 = arith.addf %mul3A_606, %add3A_608 : vector<16xf32>
    %div3A_610 = arith.constant 1.000000e+00 : f32
    %div3A_611 = vector.broadcast %div3A_610 : f32 to vector<16xf32>
    %div3A_612 = arith.divf %div3A_611, %add3A_609 : vector<16xf32>
    %swap3A_613 = arith.constant 144 : index
    %swap3A_614 = tpu.vector_load %arg10[%swap3A_613] {strides = array<i32>} : memref<512xf32, #tpu.memory_space<vmem>>, vector<16xf32>,
    %swap3A_615 = vector.shape_cast %swap3A_614 : vector<16xf32> to vector<16xf32>
    %swap3A_616 = vector.shape_cast %div3A_612 : vector<16xf32> to vector<16xf32>
    tpu.vector_store %arg10[%swap3A_613], %swap3A_616 {strides = array<i32>} : memref<512xf32, #tpu.memory_space<vmem>>, vector<16xf32>,
    %get3A_617 = arith.constant 160 : index
    %get3A_618 = tpu.vector_load %arg9[%get3A_617] {strides = array<i32>} : memref<512xf32, #tpu.memory_space<vmem>>, vector<16xf32>,
    %get3A_619 = vector.shape_cast %get3A_618 : vector<16xf32> to vector<16xf32>
    %mul3A_620 = arith.constant 6.10351563E-5 : f32
    %mul3A_621 = vector.broadcast %mul3A_620 : f32 to vector<16xf32>
    %mul3A_622 = arith.mulf %get3A_619, %mul3A_621 : vector<16xf32>
    %add3A_623 = arith.constant 9.99999974E-6 : f32
    %add3A_624 = vector.broadcast %add3A_623 : f32 to vector<16xf32>
    %add3A_625 = arith.addf %mul3A_622, %add3A_624 : vector<16xf32>
    %div3A_626 = arith.constant 1.000000e+00 : f32
    %div3A_627 = vector.broadcast %div3A_626 : f32 to vector<16xf32>
    %div3A_628 = arith.divf %div3A_627, %add3A_625 : vector<16xf32>
    %swap3A_629 = arith.constant 160 : index
    %swap3A_630 = tpu.vector_load %arg10[%swap3A_629] {strides = array<i32>} : memref<512xf32, #tpu.memory_space<vmem>>, vector<16xf32>,
    %swap3A_631 = vector.shape_cast %swap3A_630 : vector<16xf32> to vector<16xf32>
    %swap3A_632 = vector.shape_cast %div3A_628 : vector<16xf32> to vector<16xf32>
    tpu.vector_store %arg10[%swap3A_629], %swap3A_632 {strides = array<i32>} : memref<512xf32, #tpu.memory_space<vmem>>, vector<16xf32>,
    %get3A_633 = arith.constant 176 : index
    %get3A_634 = tpu.vector_load %arg9[%get3A_633] {strides = array<i32>} : memref<512xf32, #tpu.memory_space<vmem>>, vector<16xf32>,
    %get3A_635 = vector.shape_cast %get3A_634 : vector<16xf32> to vector<16xf32>
    %mul3A_636 = arith.constant 6.10351563E-5 : f32
    %mul3A_637 = vector.broadcast %mul3A_636 : f32 to vector<16xf32>
    %mul3A_638 = arith.mulf %get3A_635, %mul3A_637 : vector<16xf32>
    %add3A_639 = arith.constant 9.99999974E-6 : f32
    %add3A_640 = vector.broadcast %add3A_639 : f32 to vector<16xf32>
    %add3A_641 = arith.addf %mul3A_638, %add3A_640 : vector<16xf32>
    %div3A_642 = arith.constant 1.000000e+00 : f32
    %div3A_643 = vector.broadcast %div3A_642 : f32 to vector<16xf32>
    %div3A_644 = arith.divf %div3A_643, %add3A_641 : vector<16xf32>
    %swap3A_645 = arith.constant 176 : index
    %swap3A_646 = tpu.vector_load %arg10[%swap3A_645] {strides = array<i32>} : memref<512xf32, #tpu.memory_space<vmem>>, vector<16xf32>,
    %swap3A_647 = vector.shape_cast %swap3A_646 : vector<16xf32> to vector<16xf32>
    %swap3A_648 = vector.shape_cast %div3A_644 : vector<16xf32> to vector<16xf32>
    tpu.vector_store %arg10[%swap3A_645], %swap3A_648 {strides = array<i32>} : memref<512xf32, #tpu.memory_space<vmem>>, vector<16xf32>,
    %get3A_649 = arith.constant 192 : index
    %get3A_650 = tpu.vector_load %arg9[%get3A_649] {strides = array<i32>} : memref<512xf32, #tpu.memory_space<vmem>>, vector<16xf32>,
    %get3A_651 = vector.shape_cast %get3A_650 : vector<16xf32> to vector<16xf32>
    %mul3A_652 = arith.constant 6.10351563E-5 : f32
    %mul3A_653 = vector.broadcast %mul3A_652 : f32 to vector<16xf32>
    %mul3A_654 = arith.mulf %get3A_651, %mul3A_653 : vector<16xf32>
    %add3A_655 = arith.constant 9.99999974E-6 : f32
    %add3A_656 = vector.broadcast %add3A_655 : f32 to vector<16xf32>
    %add3A_657 = arith.addf %mul3A_654, %add3A_656 : vector<16xf32>
    %div3A_658 = arith.constant 1.000000e+00 : f32
    %div3A_659 = vector.broadcast %div3A_658 : f32 to vector<16xf32>
    %div3A_660 = arith.divf %div3A_659, %add3A_657 : vector<16xf32>
    %swap3A_661 = arith.constant 192 : index
    %swap3A_662 = tpu.vector_load %arg10[%swap3A_661] {strides = array<i32>} : memref<512xf32, #tpu.memory_space<vmem>>, vector<16xf32>,
    %swap3A_663 = vector.shape_cast %swap3A_662 : vector<16xf32> to vector<16xf32>
    %swap3A_664 = vector.shape_cast %div3A_660 : vector<16xf32> to vector<16xf32>
    tpu.vector_store %arg10[%swap3A_661], %swap3A_664 {strides = array<i32>} : memref<512xf32, #tpu.memory_space<vmem>>, vector<16xf32>,
    %get3A_665 = arith.constant 208 : index
    %get3A_666 = tpu.vector_load %arg9[%get3A_665] {strides = array<i32>} : memref<512xf32, #tpu.memory_space<vmem>>, vector<16xf32>,
    %get3A_667 = vector.shape_cast %get3A_666 : vector<16xf32> to vector<16xf32>
    %mul3A_668 = arith.constant 6.10351563E-5 : f32
    %mul3A_669 = vector.broadcast %mul3A_668 : f32 to vector<16xf32>
    %mul3A_670 = arith.mulf %get3A_667, %mul3A_669 : vector<16xf32>
    %add3A_671 = arith.constant 9.99999974E-6 : f32
    %add3A_672 = vector.broadcast %add3A_671 : f32 to vector<16xf32>
    %add3A_673 = arith.addf %mul3A_670, %add3A_672 : vector<16xf32>
    %div3A_674 = arith.constant 1.000000e+00 : f32
    %div3A_675 = vector.broadcast %div3A_674 : f32 to vector<16xf32>
    %div3A_676 = arith.divf %div3A_675, %add3A_673 : vector<16xf32>
    %swap3A_677 = arith.constant 208 : index
    %swap3A_678 = tpu.vector_load %arg10[%swap3A_677] {strides = array<i32>} : memref<512xf32, #tpu.memory_space<vmem>>, vector<16xf32>,
    %swap3A_679 = vector.shape_cast %swap3A_678 : vector<16xf32> to vector<16xf32>
    %swap3A_680 = vector.shape_cast %div3A_676 : vector<16xf32> to vector<16xf32>
    tpu.vector_store %arg10[%swap3A_677], %swap3A_680 {strides = array<i32>} : memref<512xf32, #tpu.memory_space<vmem>>, vector<16xf32>,
    %get3A_681 = arith.constant 224 : index
    %get3A_682 = tpu.vector_load %arg9[%get3A_681] {strides = array<i32>} : memref<512xf32, #tpu.memory_space<vmem>>, vector<16xf32>,
    %get3A_683 = vector.shape_cast %get3A_682 : vector<16xf32> to vector<16xf32>
    %mul3A_684 = arith.constant 6.10351563E-5 : f32
    %mul3A_685 = vector.broadcast %mul3A_684 : f32 to vector<16xf32>
    %mul3A_686 = arith.mulf %get3A_683, %mul3A_685 : vector<16xf32>
    %add3A_687 = arith.constant 9.99999974E-6 : f32
    %add3A_688 = vector.broadcast %add3A_687 : f32 to vector<16xf32>
    %add3A_689 = arith.addf %mul3A_686, %add3A_688 : vector<16xf32>
    %div3A_690 = arith.constant 1.000000e+00 : f32
    %div3A_691 = vector.broadcast %div3A_690 : f32 to vector<16xf32>
    %div3A_692 = arith.divf %div3A_691, %add3A_689 : vector<16xf32>
    %swap3A_693 = arith.constant 224 : index
    %swap3A_694 = tpu.vector_load %arg10[%swap3A_693] {strides = array<i32>} : memref<512xf32, #tpu.memory_space<vmem>>, vector<16xf32>,
    %swap3A_695 = vector.shape_cast %swap3A_694 : vector<16xf32> to vector<16xf32>
    %swap3A_696 = vector.shape_cast %div3A_692 : vector<16xf32> to vector<16xf32>
    tpu.vector_store %arg10[%swap3A_693], %swap3A_696 {strides = array<i32>} : memref<512xf32, #tpu.memory_space<vmem>>, vector<16xf32>,
    %get3A_697 = arith.constant 240 : index
    %get3A_698 = tpu.vector_load %arg9[%get3A_697] {strides = array<i32>} : memref<512xf32, #tpu.memory_space<vmem>>, vector<16xf32>,
    %get3A_699 = vector.shape_cast %get3A_698 : vector<16xf32> to vector<16xf32>
    %mul3A_700 = arith.constant 6.10351563E-5 : f32
    %mul3A_701 = vector.broadcast %mul3A_700 : f32 to vector<16xf32>
    %mul3A_702 = arith.mulf %get3A_699, %mul3A_701 : vector<16xf32>
    %add3A_703 = arith.constant 9.99999974E-6 : f32
    %add3A_704 = vector.broadcast %add3A_703 : f32 to vector<16xf32>
    %add3A_705 = arith.addf %mul3A_702, %add3A_704 : vector<16xf32>
    %div3A_706 = arith.constant 1.000000e+00 : f32
    %div3A_707 = vector.broadcast %div3A_706 : f32 to vector<16xf32>
    %div3A_708 = arith.divf %div3A_707, %add3A_705 : vector<16xf32>
    %swap3A_709 = arith.constant 240 : index
    %swap3A_710 = tpu.vector_load %arg10[%swap3A_709] {strides = array<i32>} : memref<512xf32, #tpu.memory_space<vmem>>, vector<16xf32>,
    %swap3A_711 = vector.shape_cast %swap3A_710 : vector<16xf32> to vector<16xf32>
    %swap3A_712 = vector.shape_cast %div3A_708 : vector<16xf32> to vector<16xf32>
    tpu.vector_store %arg10[%swap3A_709], %swap3A_712 {strides = array<i32>} : memref<512xf32, #tpu.memory_space<vmem>>, vector<16xf32>,
    %get3A_713 = arith.constant 256 : index
    %get3A_714 = tpu.vector_load %arg9[%get3A_713] {strides = array<i32>} : memref<512xf32, #tpu.memory_space<vmem>>, vector<16xf32>,
    %get3A_715 = vector.shape_cast %get3A_714 : vector<16xf32> to vector<16xf32>
    %mul3A_716 = arith.constant 6.10351563E-5 : f32
    %mul3A_717 = vector.broadcast %mul3A_716 : f32 to vector<16xf32>
    %mul3A_718 = arith.mulf %get3A_715, %mul3A_717 : vector<16xf32>
    %add3A_719 = arith.constant 9.99999974E-6 : f32
    %add3A_720 = vector.broadcast %add3A_719 : f32 to vector<16xf32>
    %add3A_721 = arith.addf %mul3A_718, %add3A_720 : vector<16xf32>
    %div3A_722 = arith.constant 1.000000e+00 : f32
    %div3A_723 = vector.broadcast %div3A_722 : f32 to vector<16xf32>
    %div3A_724 = arith.divf %div3A_723, %add3A_721 : vector<16xf32>
    %swap3A_725 = arith.constant 256 : index
    %swap3A_726 = tpu.vector_load %arg10[%swap3A_725] {strides = array<i32>} : memref<512xf32, #tpu.memory_space<vmem>>, vector<16xf32>,
    %swap3A_727 = vector.shape_cast %swap3A_726 : vector<16xf32> to vector<16xf32>
    %swap3A_728 = vector.shape_cast %div3A_724 : vector<16xf32> to vector<16xf32>
    tpu.vector_store %arg10[%swap3A_725], %swap3A_728 {strides = array<i32>} : memref<512xf32, #tpu.memory_space<vmem>>, vector<16xf32>,
    %get3A_729 = arith.constant 272 : index
    %get3A_730 = tpu.vector_load %arg9[%get3A_729] {strides = array<i32>} : memref<512xf32, #tpu.memory_space<vmem>>, vector<16xf32>,
    %get3A_731 = vector.shape_cast %get3A_730 : vector<16xf32> to vector<16xf32>
    %mul3A_732 = arith.constant 6.10351563E-5 : f32
    %mul3A_733 = vector.broadcast %mul3A_732 : f32 to vector<16xf32>
    %mul3A_734 = arith.mulf %get3A_731, %mul3A_733 : vector<16xf32>
    %add3A_735 = arith.constant 9.99999974E-6 : f32
    %add3A_736 = vector.broadcast %add3A_735 : f32 to vector<16xf32>
    %add3A_737 = arith.addf %mul3A_734, %add3A_736 : vector<16xf32>
    %div3A_738 = arith.constant 1.000000e+00 : f32
    %div3A_739 = vector.broadcast %div3A_738 : f32 to vector<16xf32>
    %div3A_740 = arith.divf %div3A_739, %add3A_737 : vector<16xf32>
    %swap3A_741 = arith.constant 272 : index
    %swap3A_742 = tpu.vector_load %arg10[%swap3A_741] {strides = array<i32>} : memref<512xf32, #tpu.memory_space<vmem>>, vector<16xf32>,
    %swap3A_743 = vector.shape_cast %swap3A_742 : vector<16xf32> to vector<16xf32>
    %swap3A_744 = vector.shape_cast %div3A_740 : vector<16xf32> to vector<16xf32>
    tpu.vector_store %arg10[%swap3A_741], %swap3A_744 {strides = array<i32>} : memref<512xf32, #tpu.memory_space<vmem>>, vector<16xf32>,
    %get3A_745 = arith.constant 288 : index
    %get3A_746 = tpu.vector_load %arg9[%get3A_745] {strides = array<i32>} : memref<512xf32, #tpu.memory_space<vmem>>, vector<16xf32>,
    %get3A_747 = vector.shape_cast %get3A_746 : vector<16xf32> to vector<16xf32>
    %mul3A_748 = arith.constant 6.10351563E-5 : f32
    %mul3A_749 = vector.broadcast %mul3A_748 : f32 to vector<16xf32>
    %mul3A_750 = arith.mulf %get3A_747, %mul3A_749 : vector<16xf32>
    %add3A_751 = arith.constant 9.99999974E-6 : f32
    %add3A_752 = vector.broadcast %add3A_751 : f32 to vector<16xf32>
    %add3A_753 = arith.addf %mul3A_750, %add3A_752 : vector<16xf32>
    %div3A_754 = arith.constant 1.000000e+00 : f32
    %div3A_755 = vector.broadcast %div3A_754 : f32 to vector<16xf32>
    %div3A_756 = arith.divf %div3A_755, %add3A_753 : vector<16xf32>
    %swap3A_757 = arith.constant 288 : index
    %swap3A_758 = tpu.vector_load %arg10[%swap3A_757] {strides = array<i32>} : memref<512xf32, #tpu.memory_space<vmem>>, vector<16xf32>,
    %swap3A_759 = vector.shape_cast %swap3A_758 : vector<16xf32> to vector<16xf32>
    %swap3A_760 = vector.shape_cast %div3A_756 : vector<16xf32> to vector<16xf32>
    tpu.vector_store %arg10[%swap3A_757], %swap3A_760 {strides = array<i32>} : memref<512xf32, #tpu.memory_space<vmem>>, vector<16xf32>,
    %get3A_761 = arith.constant 304 : index
    %get3A_762 = tpu.vector_load %arg9[%get3A_761] {strides = array<i32>} : memref<512xf32, #tpu.memory_space<vmem>>, vector<16xf32>,
    %get3A_763 = vector.shape_cast %get3A_762 : vector<16xf32> to vector<16xf32>
    %mul3A_764 = arith.constant 6.10351563E-5 : f32
    %mul3A_765 = vector.broadcast %mul3A_764 : f32 to vector<16xf32>
    %mul3A_766 = arith.mulf %get3A_763, %mul3A_765 : vector<16xf32>
    %add3A_767 = arith.constant 9.99999974E-6 : f32
    %add3A_768 = vector.broadcast %add3A_767 : f32 to vector<16xf32>
    %add3A_769 = arith.addf %mul3A_766, %add3A_768 : vector<16xf32>
    %div3A_770 = arith.constant 1.000000e+00 : f32
    %div3A_771 = vector.broadcast %div3A_770 : f32 to vector<16xf32>
    %div3A_772 = arith.divf %div3A_771, %add3A_769 : vector<16xf32>
    %swap3A_773 = arith.constant 304 : index
    %swap3A_774 = tpu.vector_load %arg10[%swap3A_773] {strides = array<i32>} : memref<512xf32, #tpu.memory_space<vmem>>, vector<16xf32>,
    %swap3A_775 = vector.shape_cast %swap3A_774 : vector<16xf32> to vector<16xf32>
    %swap3A_776 = vector.shape_cast %div3A_772 : vector<16xf32> to vector<16xf32>
    tpu.vector_store %arg10[%swap3A_773], %swap3A_776 {strides = array<i32>} : memref<512xf32, #tpu.memory_space<vmem>>, vector<16xf32>,
    %get3A_777 = arith.constant 320 : index
    %get3A_778 = tpu.vector_load %arg9[%get3A_777] {strides = array<i32>} : memref<512xf32, #tpu.memory_space<vmem>>, vector<16xf32>,
    %get3A_779 = vector.shape_cast %get3A_778 : vector<16xf32> to vector<16xf32>
    %mul3A_780 = arith.constant 6.10351563E-5 : f32
    %mul3A_781 = vector.broadcast %mul3A_780 : f32 to vector<16xf32>
    %mul3A_782 = arith.mulf %get3A_779, %mul3A_781 : vector<16xf32>
    %add3A_783 = arith.constant 9.99999974E-6 : f32
    %add3A_784 = vector.broadcast %add3A_783 : f32 to vector<16xf32>
    %add3A_785 = arith.addf %mul3A_782, %add3A_784 : vector<16xf32>
    %div3A_786 = arith.constant 1.000000e+00 : f32
    %div3A_787 = vector.broadcast %div3A_786 : f32 to vector<16xf32>
    %div3A_788 = arith.divf %div3A_787, %add3A_785 : vector<16xf32>
    %swap3A_789 = arith.constant 320 : index
    %swap3A_790 = tpu.vector_load %arg10[%swap3A_789] {strides = array<i32>} : memref<512xf32, #tpu.memory_space<vmem>>, vector<16xf32>,
    %swap3A_791 = vector.shape_cast %swap3A_790 : vector<16xf32> to vector<16xf32>
    %swap3A_792 = vector.shape_cast %div3A_788 : vector<16xf32> to vector<16xf32>
    tpu.vector_store %arg10[%swap3A_789], %swap3A_792 {strides = array<i32>} : memref<512xf32, #tpu.memory_space<vmem>>, vector<16xf32>,
    %get3A_793 = arith.constant 336 : index
    %get3A_794 = tpu.vector_load %arg9[%get3A_793] {strides = array<i32>} : memref<512xf32, #tpu.memory_space<vmem>>, vector<16xf32>,
    %get3A_795 = vector.shape_cast %get3A_794 : vector<16xf32> to vector<16xf32>
    %mul3A_796 = arith.constant 6.10351563E-5 : f32
    %mul3A_797 = vector.broadcast %mul3A_796 : f32 to vector<16xf32>
    %mul3A_798 = arith.mulf %get3A_795, %mul3A_797 : vector<16xf32>
    %add3A_799 = arith.constant 9.99999974E-6 : f32
    %add3A_800 = vector.broadcast %add3A_799 : f32 to vector<16xf32>
    %add3A_801 = arith.addf %mul3A_798, %add3A_800 : vector<16xf32>
    %div3A_802 = arith.constant 1.000000e+00 : f32
    %div3A_803 = vector.broadcast %div3A_802 : f32 to vector<16xf32>
    %div3A_804 = arith.divf %div3A_803, %add3A_801 : vector<16xf32>
    %swap3A_805 = arith.constant 336 : index
    %swap3A_806 = tpu.vector_load %arg10[%swap3A_805] {strides = array<i32>} : memref<512xf32, #tpu.memory_space<vmem>>, vector<16xf32>,
    %swap3A_807 = vector.shape_cast %swap3A_806 : vector<16xf32> to vector<16xf32>
    %swap3A_808 = vector.shape_cast %div3A_804 : vector<16xf32> to vector<16xf32>
    tpu.vector_store %arg10[%swap3A_805], %swap3A_808 {strides = array<i32>} : memref<512xf32, #tpu.memory_space<vmem>>, vector<16xf32>,
    %get3A_809 = arith.constant 352 : index
    %get3A_810 = tpu.vector_load %arg9[%get3A_809] {strides = array<i32>} : memref<512xf32, #tpu.memory_space<vmem>>, vector<16xf32>,
    %get3A_811 = vector.shape_cast %get3A_810 : vector<16xf32> to vector<16xf32>
    %mul3A_812 = arith.constant 6.10351563E-5 : f32
    %mul3A_813 = vector.broadcast %mul3A_812 : f32 to vector<16xf32>
    %mul3A_814 = arith.mulf %get3A_811, %mul3A_813 : vector<16xf32>
    %add3A_815 = arith.constant 9.99999974E-6 : f32
    %add3A_816 = vector.broadcast %add3A_815 : f32 to vector<16xf32>
    %add3A_817 = arith.addf %mul3A_814, %add3A_816 : vector<16xf32>
    %div3A_818 = arith.constant 1.000000e+00 : f32
    %div3A_819 = vector.broadcast %div3A_818 : f32 to vector<16xf32>
    %div3A_820 = arith.divf %div3A_819, %add3A_817 : vector<16xf32>
    %swap3A_821 = arith.constant 352 : index
    %swap3A_822 = tpu.vector_load %arg10[%swap3A_821] {strides = array<i32>} : memref<512xf32, #tpu.memory_space<vmem>>, vector<16xf32>,
    %swap3A_823 = vector.shape_cast %swap3A_822 : vector<16xf32> to vector<16xf32>
    %swap3A_824 = vector.shape_cast %div3A_820 : vector<16xf32> to vector<16xf32>
    tpu.vector_store %arg10[%swap3A_821], %swap3A_824 {strides = array<i32>} : memref<512xf32, #tpu.memory_space<vmem>>, vector<16xf32>,
    %get3A_825 = arith.constant 368 : index
    %get3A_826 = tpu.vector_load %arg9[%get3A_825] {strides = array<i32>} : memref<512xf32, #tpu.memory_space<vmem>>, vector<16xf32>,
    %get3A_827 = vector.shape_cast %get3A_826 : vector<16xf32> to vector<16xf32>
    %mul3A_828 = arith.constant 6.10351563E-5 : f32
    %mul3A_829 = vector.broadcast %mul3A_828 : f32 to vector<16xf32>
    %mul3A_830 = arith.mulf %get3A_827, %mul3A_829 : vector<16xf32>
    %add3A_831 = arith.constant 9.99999974E-6 : f32
    %add3A_832 = vector.broadcast %add3A_831 : f32 to vector<16xf32>
    %add3A_833 = arith.addf %mul3A_830, %add3A_832 : vector<16xf32>
    %div3A_834 = arith.constant 1.000000e+00 : f32
    %div3A_835 = vector.broadcast %div3A_834 : f32 to vector<16xf32>
    %div3A_836 = arith.divf %div3A_835, %add3A_833 : vector<16xf32>
    %swap3A_837 = arith.constant 368 : index
    %swap3A_838 = tpu.vector_load %arg10[%swap3A_837] {strides = array<i32>} : memref<512xf32, #tpu.memory_space<vmem>>, vector<16xf32>,
    %swap3A_839 = vector.shape_cast %swap3A_838 : vector<16xf32> to vector<16xf32>
    %swap3A_840 = vector.shape_cast %div3A_836 : vector<16xf32> to vector<16xf32>
    tpu.vector_store %arg10[%swap3A_837], %swap3A_840 {strides = array<i32>} : memref<512xf32, #tpu.memory_space<vmem>>, vector<16xf32>,
    %get3A_841 = arith.constant 384 : index
    %get3A_842 = tpu.vector_load %arg9[%get3A_841] {strides = array<i32>} : memref<512xf32, #tpu.memory_space<vmem>>, vector<16xf32>,
    %get3A_843 = vector.shape_cast %get3A_842 : vector<16xf32> to vector<16xf32>
    %mul3A_844 = arith.constant 6.10351563E-5 : f32
    %mul3A_845 = vector.broadcast %mul3A_844 : f32 to vector<16xf32>
    %mul3A_846 = arith.mulf %get3A_843, %mul3A_845 : vector<16xf32>
    %add3A_847 = arith.constant 9.99999974E-6 : f32
    %add3A_848 = vector.broadcast %add3A_847 : f32 to vector<16xf32>
    %add3A_849 = arith.addf %mul3A_846, %add3A_848 : vector<16xf32>
    %div3A_850 = arith.constant 1.000000e+00 : f32
    %div3A_851 = vector.broadcast %div3A_850 : f32 to vector<16xf32>
    %div3A_852 = arith.divf %div3A_851, %add3A_849 : vector<16xf32>
    %swap3A_853 = arith.constant 384 : index
    %swap3A_854 = tpu.vector_load %arg10[%swap3A_853] {strides = array<i32>} : memref<512xf32, #tpu.memory_space<vmem>>, vector<16xf32>,
    %swap3A_855 = vector.shape_cast %swap3A_854 : vector<16xf32> to vector<16xf32>
    %swap3A_856 = vector.shape_cast %div3A_852 : vector<16xf32> to vector<16xf32>
    tpu.vector_store %arg10[%swap3A_853], %swap3A_856 {strides = array<i32>} : memref<512xf32, #tpu.memory_space<vmem>>, vector<16xf32>,
    %get3A_857 = arith.constant 400 : index
    %get3A_858 = tpu.vector_load %arg9[%get3A_857] {strides = array<i32>} : memref<512xf32, #tpu.memory_space<vmem>>, vector<16xf32>,
    %get3A_859 = vector.shape_cast %get3A_858 : vector<16xf32> to vector<16xf32>
    %mul3A_860 = arith.constant 6.10351563E-5 : f32
    %mul3A_861 = vector.broadcast %mul3A_860 : f32 to vector<16xf32>
    %mul3A_862 = arith.mulf %get3A_859, %mul3A_861 : vector<16xf32>
    %add3A_863 = arith.constant 9.99999974E-6 : f32
    %add3A_864 = vector.broadcast %add3A_863 : f32 to vector<16xf32>
    %add3A_865 = arith.addf %mul3A_862, %add3A_864 : vector<16xf32>
    %div3A_866 = arith.constant 1.000000e+00 : f32
    %div3A_867 = vector.broadcast %div3A_866 : f32 to vector<16xf32>
    %div3A_868 = arith.divf %div3A_867, %add3A_865 : vector<16xf32>
    %swap3A_869 = arith.constant 400 : index
    %swap3A_870 = tpu.vector_load %arg10[%swap3A_869] {strides = array<i32>} : memref<512xf32, #tpu.memory_space<vmem>>, vector<16xf32>,
    %swap3A_871 = vector.shape_cast %swap3A_870 : vector<16xf32> to vector<16xf32>
    %swap3A_872 = vector.shape_cast %div3A_868 : vector<16xf32> to vector<16xf32>
    tpu.vector_store %arg10[%swap3A_869], %swap3A_872 {strides = array<i32>} : memref<512xf32, #tpu.memory_space<vmem>>, vector<16xf32>,
    %get3A_873 = arith.constant 416 : index
    %get3A_874 = tpu.vector_load %arg9[%get3A_873] {strides = array<i32>} : memref<512xf32, #tpu.memory_space<vmem>>, vector<16xf32>,
    %get3A_875 = vector.shape_cast %get3A_874 : vector<16xf32> to vector<16xf32>
    %mul3A_876 = arith.constant 6.10351563E-5 : f32
    %mul3A_877 = vector.broadcast %mul3A_876 : f32 to vector<16xf32>
    %mul3A_878 = arith.mulf %get3A_875, %mul3A_877 : vector<16xf32>
    %add3A_879 = arith.constant 9.99999974E-6 : f32
    %add3A_880 = vector.broadcast %add3A_879 : f32 to vector<16xf32>
    %add3A_881 = arith.addf %mul3A_878, %add3A_880 : vector<16xf32>
    %div3A_882 = arith.constant 1.000000e+00 : f32
    %div3A_883 = vector.broadcast %div3A_882 : f32 to vector<16xf32>
    %div3A_884 = arith.divf %div3A_883, %add3A_881 : vector<16xf32>
    %swap3A_885 = arith.constant 416 : index
    %swap3A_886 = tpu.vector_load %arg10[%swap3A_885] {strides = array<i32>} : memref<512xf32, #tpu.memory_space<vmem>>, vector<16xf32>,
    %swap3A_887 = vector.shape_cast %swap3A_886 : vector<16xf32> to vector<16xf32>
    %swap3A_888 = vector.shape_cast %div3A_884 : vector<16xf32> to vector<16xf32>
    tpu.vector_store %arg10[%swap3A_885], %swap3A_888 {strides = array<i32>} : memref<512xf32, #tpu.memory_space<vmem>>, vector<16xf32>,
    %get3A_889 = arith.constant 432 : index
    %get3A_890 = tpu.vector_load %arg9[%get3A_889] {strides = array<i32>} : memref<512xf32, #tpu.memory_space<vmem>>, vector<16xf32>,
    %get3A_891 = vector.shape_cast %get3A_890 : vector<16xf32> to vector<16xf32>
    %mul3A_892 = arith.constant 6.10351563E-5 : f32
    %mul3A_893 = vector.broadcast %mul3A_892 : f32 to vector<16xf32>
    %mul3A_894 = arith.mulf %get3A_891, %mul3A_893 : vector<16xf32>
    %add3A_895 = arith.constant 9.99999974E-6 : f32
    %add3A_896 = vector.broadcast %add3A_895 : f32 to vector<16xf32>
    %add3A_897 = arith.addf %mul3A_894, %add3A_896 : vector<16xf32>
    %div3A_898 = arith.constant 1.000000e+00 : f32
    %div3A_899 = vector.broadcast %div3A_898 : f32 to vector<16xf32>
    %div3A_900 = arith.divf %div3A_899, %add3A_897 : vector<16xf32>
    %swap3A_901 = arith.constant 432 : index
    %swap3A_902 = tpu.vector_load %arg10[%swap3A_901] {strides = array<i32>} : memref<512xf32, #tpu.memory_space<vmem>>, vector<16xf32>,
    %swap3A_903 = vector.shape_cast %swap3A_902 : vector<16xf32> to vector<16xf32>
    %swap3A_904 = vector.shape_cast %div3A_900 : vector<16xf32> to vector<16xf32>
    tpu.vector_store %arg10[%swap3A_901], %swap3A_904 {strides = array<i32>} : memref<512xf32, #tpu.memory_space<vmem>>, vector<16xf32>,
    %get3A_905 = arith.constant 448 : index
    %get3A_906 = tpu.vector_load %arg9[%get3A_905] {strides = array<i32>} : memref<512xf32, #tpu.memory_space<vmem>>, vector<16xf32>,
    %get3A_907 = vector.shape_cast %get3A_906 : vector<16xf32> to vector<16xf32>
    %mul3A_908 = arith.constant 6.10351563E-5 : f32
    %mul3A_909 = vector.broadcast %mul3A_908 : f32 to vector<16xf32>
    %mul3A_910 = arith.mulf %get3A_907, %mul3A_909 : vector<16xf32>
    %add3A_911 = arith.constant 9.99999974E-6 : f32
    %add3A_912 = vector.broadcast %add3A_911 : f32 to vector<16xf32>
    %add3A_913 = arith.addf %mul3A_910, %add3A_912 : vector<16xf32>
    %div3A_914 = arith.constant 1.000000e+00 : f32
    %div3A_915 = vector.broadcast %div3A_914 : f32 to vector<16xf32>
    %div3A_916 = arith.divf %div3A_915, %add3A_913 : vector<16xf32>
    %swap3A_917 = arith.constant 448 : index
    %swap3A_918 = tpu.vector_load %arg10[%swap3A_917] {strides = array<i32>} : memref<512xf32, #tpu.memory_space<vmem>>, vector<16xf32>,
    %swap3A_919 = vector.shape_cast %swap3A_918 : vector<16xf32> to vector<16xf32>
    %swap3A_920 = vector.shape_cast %div3A_916 : vector<16xf32> to vector<16xf32>
    tpu.vector_store %arg10[%swap3A_917], %swap3A_920 {strides = array<i32>} : memref<512xf32, #tpu.memory_space<vmem>>, vector<16xf32>,
    %get3A_921 = arith.constant 464 : index
    %get3A_922 = tpu.vector_load %arg9[%get3A_921] {strides = array<i32>} : memref<512xf32, #tpu.memory_space<vmem>>, vector<16xf32>,
    %get3A_923 = vector.shape_cast %get3A_922 : vector<16xf32> to vector<16xf32>
    %mul3A_924 = arith.constant 6.10351563E-5 : f32
    %mul3A_925 = vector.broadcast %mul3A_924 : f32 to vector<16xf32>
    %mul3A_926 = arith.mulf %get3A_923, %mul3A_925 : vector<16xf32>
    %add3A_927 = arith.constant 9.99999974E-6 : f32
    %add3A_928 = vector.broadcast %add3A_927 : f32 to vector<16xf32>
    %add3A_929 = arith.addf %mul3A_926, %add3A_928 : vector<16xf32>
    %div3A_930 = arith.constant 1.000000e+00 : f32
    %div3A_931 = vector.broadcast %div3A_930 : f32 to vector<16xf32>
    %div3A_932 = arith.divf %div3A_931, %add3A_929 : vector<16xf32>
    %swap3A_933 = arith.constant 464 : index
    %swap3A_934 = tpu.vector_load %arg10[%swap3A_933] {strides = array<i32>} : memref<512xf32, #tpu.memory_space<vmem>>, vector<16xf32>,
    %swap3A_935 = vector.shape_cast %swap3A_934 : vector<16xf32> to vector<16xf32>
    %swap3A_936 = vector.shape_cast %div3A_932 : vector<16xf32> to vector<16xf32>
    tpu.vector_store %arg10[%swap3A_933], %swap3A_936 {strides = array<i32>} : memref<512xf32, #tpu.memory_space<vmem>>, vector<16xf32>,
    %get3A_937 = arith.constant 480 : index
    %get3A_938 = tpu.vector_load %arg9[%get3A_937] {strides = array<i32>} : memref<512xf32, #tpu.memory_space<vmem>>, vector<16xf32>,
    %get3A_939 = vector.shape_cast %get3A_938 : vector<16xf32> to vector<16xf32>
    %mul3A_940 = arith.constant 6.10351563E-5 : f32
    %mul3A_941 = vector.broadcast %mul3A_940 : f32 to vector<16xf32>
    %mul3A_942 = arith.mulf %get3A_939, %mul3A_941 : vector<16xf32>
    %add3A_943 = arith.constant 9.99999974E-6 : f32
    %add3A_944 = vector.broadcast %add3A_943 : f32 to vector<16xf32>
    %add3A_945 = arith.addf %mul3A_942, %add3A_944 : vector<16xf32>
    %div3A_946 = arith.constant 1.000000e+00 : f32
    %div3A_947 = vector.broadcast %div3A_946 : f32 to vector<16xf32>
    %div3A_948 = arith.divf %div3A_947, %add3A_945 : vector<16xf32>
    %swap3A_949 = arith.constant 480 : index
    %swap3A_950 = tpu.vector_load %arg10[%swap3A_949] {strides = array<i32>} : memref<512xf32, #tpu.memory_space<vmem>>, vector<16xf32>,
    %swap3A_951 = vector.shape_cast %swap3A_950 : vector<16xf32> to vector<16xf32>
    %swap3A_952 = vector.shape_cast %div3A_948 : vector<16xf32> to vector<16xf32>
    tpu.vector_store %arg10[%swap3A_949], %swap3A_952 {strides = array<i32>} : memref<512xf32, #tpu.memory_space<vmem>>, vector<16xf32>,
    %get3A_953 = arith.constant 496 : index
    %get3A_954 = tpu.vector_load %arg9[%get3A_953] {strides = array<i32>} : memref<512xf32, #tpu.memory_space<vmem>>, vector<16xf32>,
    %get3A_955 = vector.shape_cast %get3A_954 : vector<16xf32> to vector<16xf32>
    %mul3A_956 = arith.constant 6.10351563E-5 : f32
    %mul3A_957 = vector.broadcast %mul3A_956 : f32 to vector<16xf32>
    %mul3A_958 = arith.mulf %get3A_955, %mul3A_957 : vector<16xf32>
    %add3A_959 = arith.constant 9.99999974E-6 : f32
    %add3A_960 = vector.broadcast %add3A_959 : f32 to vector<16xf32>
    %add3A_961 = arith.addf %mul3A_958, %add3A_960 : vector<16xf32>
    %div3A_962 = arith.constant 1.000000e+00 : f32
    %div3A_963 = vector.broadcast %div3A_962 : f32 to vector<16xf32>
    %div3A_964 = arith.divf %div3A_963, %add3A_961 : vector<16xf32>
    %swap3A_965 = arith.constant 496 : index
    %swap3A_966 = tpu.vector_load %arg10[%swap3A_965] {strides = array<i32>} : memref<512xf32, #tpu.memory_space<vmem>>, vector<16xf32>,
    %swap3A_967 = vector.shape_cast %swap3A_966 : vector<16xf32> to vector<16xf32>
    %swap3A_968 = vector.shape_cast %div3A_964 : vector<16xf32> to vector<16xf32>
    tpu.vector_store %arg10[%swap3A_965], %swap3A_968 {strides = array<i32>} : memref<512xf32, #tpu.memory_space<vmem>>, vector<16xf32>,
    "tpu.region"() ({
      %run_scoped3A_969 = tpu.sem_alloc : memref<!tpu.dma_semaphore, #tpu.memory_space<semaphore_mem>>
      %dma_start3A = arith.constant 0 : i32
      %dma_start3A_970 = tpu.memref_slice %arg3[%add3A, %dma_start3A] : memref<32x512xf32, #tpu.memory_space<hbm>> -> memref<1x512xf32, #tpu.memory_space<hbm>>
      %dma_start3A_971 = tpu.memref_squeeze %dma_start3A_970 : memref<1x512xf32, #tpu.memory_space<hbm>> -> memref<512xf32, #tpu.memory_space<hbm>>
      %dma_start3A_972 = arith.constant 0 : i32
      %dma_start3A_973 = tpu.memref_slice %arg3[%add3A, %dma_start3A_972] : memref<32x512xf32, #tpu.memory_space<hbm>> -> memref<1x512xf32, #tpu.memory_space<hbm>>
      %dma_start3A_974 = tpu.memref_squeeze %dma_start3A_973 : memref<1x512xf32, #tpu.memory_space<hbm>> -> memref<512xf32, #tpu.memory_space<hbm>>
      tpu.enqueue_dma source(%arg10 : memref<512xf32, #tpu.memory_space<vmem>>) target(%dma_start3A_974 : memref<512xf32, #tpu.memory_space<hbm>>) target_semaphore(%run_scoped3A_969 : memref<!tpu.dma_semaphore, #tpu.memory_space<semaphore_mem>>)
      %dma_wait3A = arith.constant 0 : i32
      %dma_wait3A_975 = tpu.memref_slice %arg3[%add3A, %dma_wait3A] : memref<32x512xf32, #tpu.memory_space<hbm>> -> memref<1x512xf32, #tpu.memory_space<hbm>>
      %dma_wait3A_976 = tpu.memref_squeeze %dma_wait3A_975 : memref<1x512xf32, #tpu.memory_space<hbm>> -> memref<512xf32, #tpu.memory_space<hbm>>
      %dma_wait3A_977 = arith.constant 0 : i32
      %dma_wait3A_978 = tpu.memref_slice %arg3[%add3A, %dma_wait3A_977] : memref<32x512xf32, #tpu.memory_space<hbm>> -> memref<1x512xf32, #tpu.memory_space<hbm>>
      %dma_wait3A_979 = tpu.memref_squeeze %dma_wait3A_978 : memref<1x512xf32, #tpu.memory_space<hbm>> -> memref<512xf32, #tpu.memory_space<hbm>>
      tpu.wait_dma2 semaphore(%run_scoped3A_969 : memref<!tpu.dma_semaphore, #tpu.memory_space<semaphore_mem>>) src(%arg10 : memref<512xf32, #tpu.memory_space<vmem>>) dst(%dma_wait3A_979 : memref<512xf32, #tpu.memory_space<hbm>>)
      tpu.yield
    }) : () -> ()
    return
  }
}

module attributes {stable_mosaic.version = 14 : i64} {
  func.func @_pass_a(%arg0: i32, %arg1: memref<1000x2048xf32, #tpu.memory_space<vmem>>, %arg2: memref<8x2048xi32, #tpu.memory_space<vmem>>, %arg3: memref<1x1x2048xf32, #tpu.memory_space<vmem>>) attributes {dimension_semantics = [#tpu.dimension_semantics<arbitrary>], iteration_bounds = array<i64: 8>, scalar_prefetch = 0 : i64, scratch_operands = 0 : i64, tpu.core_type = #tpu.core_type<tc>, window_params = [{transform_indices = @transform_0, window_bounds = array<i64: 1000, 2048>}, {pipeline_mode = #tpu.pipeline_mode<synchronous>, transform_indices = @transform_1, window_bounds = array<i64: 8, 2048>}, {transform_indices = @transform_2, window_bounds = array<i64: 1, 1, 2048>}]} {
    %get3A = arith.constant 0 : index
    %get3A_0 = arith.constant 0 : index
    %get3A_1 = vector.load %arg1[%get3A, %get3A_0] : memref<1000x2048xf32, #tpu.memory_space<vmem>>, vector<1000x2048xf32>
    %get3A_2 = arith.index_cast %arg0 : i32 to index
    %get3A_3 = arith.constant 0 : index
    %get3A_4 = vector.load %arg2[%get3A_2, %get3A_3] : memref<8x2048xi32, #tpu.memory_space<vmem>>, vector<1x2048xi32>
    %squeeze3A = vector.shape_cast %get3A_4 : vector<1x2048xi32> to vector<2048xi32>
    %exp3A = math.exp %get3A_1 : vector<1000x2048xf32>
    %reduce_sum3A = arith.constant dense<0.000000e+00> : vector<2048xf32>
    %reduce_sum3A_5 = vector.multi_reduction <add>, %exp3A, %reduce_sum3A [0] : vector<1000x2048xf32> to vector<2048xf32>
    %log3A = math.log %reduce_sum3A_5 : vector<2048xf32>
    %iota3A = tpu.iota {dimensions = array<i32: 0>} : vector<1000x2048xi32>
    %broadcast_in_dim3A = vector.shape_cast %squeeze3A : vector<2048xi32> to vector<1x2048xi32>
    %eq3A = vector.broadcast %broadcast_in_dim3A : vector<1x2048xi32> to vector<1000x2048xi32>
    %eq3A_6 = arith.cmpi eq, %iota3A, %eq3A : vector<1000x2048xi32>
    %convert_element_type3A = arith.extui %eq3A_6 : vector<1000x2048xi1> to vector<1000x2048xi32>
    %convert_element_type3A_7 = arith.sitofp %convert_element_type3A : vector<1000x2048xi32> to vector<1000x2048xf32>
    %mul3A = arith.mulf %get3A_1, %convert_element_type3A_7 : vector<1000x2048xf32>
    %reduce_sum3A_8 = arith.constant dense<0.000000e+00> : vector<2048xf32>
    %reduce_sum3A_9 = vector.multi_reduction <add>, %mul3A, %reduce_sum3A_8 [0] : vector<1000x2048xf32> to vector<2048xf32>
    %sub3A = arith.subf %log3A, %reduce_sum3A_9 : vector<2048xf32>
    %swap3A = arith.constant 0 : index
    %swap3A_10 = arith.constant 0 : index
    %swap3A_11 = arith.constant 0 : index
    %swap3A_12 = vector.load %arg3[%swap3A, %swap3A_10, %swap3A_11] : memref<1x1x2048xf32, #tpu.memory_space<vmem>>, vector<1x1x2048xf32>
    %swap3A_13 = vector.shape_cast %swap3A_12 : vector<1x1x2048xf32> to vector<2048xf32>
    %swap3A_14 = vector.shape_cast %sub3A : vector<2048xf32> to vector<1x1x2048xf32>
    tpu.vector_store %arg3[%swap3A, %swap3A_10, %swap3A_11], %swap3A_14 {strides = array<i32>} : memref<1x1x2048xf32, #tpu.memory_space<vmem>>, vector<1x1x2048xf32>,
    return
  }
  func.func @transform_0(%arg0: i32) -> (i32, i32) {
    %c0_i32 = arith.constant 0 : i32
    %c0_i32_0 = arith.constant 0 : i32
    return %c0_i32, %arg0 : i32, i32
  }
  func.func @transform_1(%arg0: i32) -> (i32, i32) {
    %c0_i32 = arith.constant 0 : i32
    %c0_i32_0 = arith.constant 0 : i32
    %c0_i32_1 = arith.constant 0 : i32
    return %c0_i32, %c0_i32_0 : i32, i32
  }
  func.func @transform_2(%arg0: i32) -> (i32, i32, i32) {
    %c0_i32 = arith.constant 0 : i32
    %c0_i32_0 = arith.constant 0 : i32
    %c0_i32_1 = arith.constant 0 : i32
    return %arg0, %c0_i32, %c0_i32_0 : i32, i32, i32
  }
}

module attributes {stable_mosaic.version = 14 : i64} {
  func.func @_combine(%arg0: memref<128x128xf32, #tpu.memory_space<vmem>>, %arg1: memref<128x128xf32, #tpu.memory_space<vmem>>, %arg2: memref<1x1024xf32, #tpu.memory_space<vmem>>, %arg3: memref<1x1xf32, #tpu.memory_space<vmem>>) attributes {dimension_semantics = [], scalar_prefetch = 0 : i64, scratch_operands = 0 : i64, tpu.core_type = #tpu.core_type<tc>} {
    %get3A = arith.constant 0 : index
    %get3A_0 = arith.constant 0 : index
    %get3A_1 = vector.load %arg2[%get3A, %get3A_0] : memref<1x1024xf32, #tpu.memory_space<vmem>>, vector<1x1024xf32>
    %get3A_2 = vector.shape_cast %get3A_1 : vector<1x1024xf32> to vector<1024xf32>
    %iota3A = tpu.iota {dimensions = array<i32: 1>} : vector<1x1024xi32>
    %squeeze3A = vector.shape_cast %iota3A : vector<1x1024xi32> to vector<1024xi32>
    %mul3A = arith.constant 6.10351563E-5 : f32
    %mul3A_3 = vector.broadcast %mul3A : f32 to vector<1024xf32>
    %mul3A_4 = arith.mulf %get3A_2, %mul3A_3 : vector<1024xf32>
    %add3A = arith.constant 9.99999974E-6 : f32
    %add3A_5 = vector.broadcast %add3A : f32 to vector<1024xf32>
    %add3A_6 = arith.addf %mul3A_4, %add3A_5 : vector<1024xf32>
    %div3A = arith.constant 1.000000e+00 : f32
    %div3A_7 = vector.broadcast %div3A : f32 to vector<1024xf32>
    %div3A_8 = arith.divf %div3A_7, %add3A_6 : vector<1024xf32>
    %lt3A = arith.constant 1000 : i32
    %lt3A_9 = vector.broadcast %lt3A : i32 to vector<1024xi32>
    %lt3A_10 = arith.cmpi slt, %squeeze3A, %lt3A_9 : vector<1024xi32>
    %jit3A = arith.constant 0.000000e+00 : f32
    %broadcast_in_dim3A = vector.broadcast %jit3A : f32 to vector<1024xf32>
    %select_n3A = arith.select %lt3A_10, %div3A_8, %broadcast_in_dim3A : vector<1024xi1>, vector<1024xf32>
    %reduce_sum3A = vector.shape_cast %select_n3A : vector<1024xf32> to vector<1x1024xf32>
    %reduce_sum3A_11 = arith.constant dense<0.000000e+00> : vector<1xf32>
    %reduce_sum3A_12 = vector.multi_reduction <add>, %reduce_sum3A, %reduce_sum3A_11 [1] : vector<1x1024xf32> to vector<1xf32>
    %reduce_sum3A_13 = vector.shape_cast %reduce_sum3A_12 : vector<1xf32> to vector<1x1xf32>
    %reduce_sum3A_14 = vector.extract %reduce_sum3A_13[0, 0] : f32 from vector<1x1xf32>
    %get3A_15 = arith.constant 0 : index
    %get3A_16 = arith.constant 0 : index
    %get3A_17 = vector.load %arg1[%get3A_15, %get3A_16] : memref<128x128xf32, #tpu.memory_space<vmem>>, vector<128x128xf32>
    %div3A_18 = arith.constant 1.000000e+00 : f32
    %div3A_19 = arith.divf %div3A_18, %reduce_sum3A_14 : f32
    %mul3A_20 = vector.broadcast %div3A_19 : f32 to vector<128x128xf32>
    %mul3A_21 = arith.mulf %get3A_17, %mul3A_20 : vector<128x128xf32>
    %get3A_22 = arith.constant 0 : index
    %get3A_23 = arith.constant 0 : index
    %get3A_24 = vector.load %arg0[%get3A_22, %get3A_23] : memref<128x128xf32, #tpu.memory_space<vmem>>, vector<128x128xf32>
    %mul3A_25 = arith.mulf %mul3A_21, %get3A_24 : vector<128x128xf32>
    %neg3A = arith.constant 0.000000e+00 : f32
    %neg3A_26 = vector.broadcast %neg3A : f32 to vector<128x128xf32>
    %neg3A_27 = arith.subf %neg3A_26, %mul3A_25 : vector<128x128xf32>
    %exp3A = math.exp %neg3A_27 : vector<128x128xf32>
    %sub3A = arith.constant 1.000000e+00 : f32
    %sub3A_28 = vector.broadcast %sub3A : f32 to vector<128x128xf32>
    %sub3A_29 = arith.subf %sub3A_28, %exp3A : vector<128x128xf32>
    %mul3A_30 = arith.mulf %sub3A_29, %sub3A_29 : vector<128x128xf32>
    %mul3A_31 = arith.mulf %mul3A_30, %mul3A_25 : vector<128x128xf32>
    %reduce_sum3A_32 = vector.shape_cast %mul3A_31 : vector<128x128xf32> to vector<1x128x128xf32>
    %reduce_sum3A_33 = arith.constant dense<0.000000e+00> : vector<1xf32>
    %reduce_sum3A_34 = vector.multi_reduction <add>, %reduce_sum3A_32, %reduce_sum3A_33 [1, 2] : vector<1x128x128xf32> to vector<1xf32>
    %reduce_sum3A_35 = vector.shape_cast %reduce_sum3A_34 : vector<1xf32> to vector<1x1x1xf32>
    %reduce_sum3A_36 = vector.extract %reduce_sum3A_35[0, 0, 0] : f32 from vector<1x1x1xf32>
    %mul3A_37 = arith.constant 6.10351563E-5 : f32
    %mul3A_38 = arith.mulf %reduce_sum3A_36, %mul3A_37 : f32
    %broadcast_in_dim3A_39 = vector.broadcast %mul3A_38 : f32 to vector<1x1xf32>
    %swap3A = arith.constant 0 : index
    %swap3A_40 = arith.constant 0 : index
    %swap3A_41 = vector.load %arg3[%swap3A, %swap3A_40] : memref<1x1xf32, #tpu.memory_space<vmem>>, vector<1x1xf32>
    tpu.vector_store %arg3[%swap3A, %swap3A_40], %broadcast_in_dim3A_39 {strides = array<i32>} : memref<1x1xf32, #tpu.memory_space<vmem>>, vector<1x1xf32>,
    return
  }
}

</mosaic_0001>

<sc_bundles>
// kernel: kernel.5.cloned.1.call-start
scs
__scs_entry_jumppad:
0x0: {  	(pc) =	sbr.rel $0x88, $3  }
0x1: {  	(tag) =	ssettag $0x0;
	lr =	simm.s32 $0x1  }
0x2: {  	[smem:$0x3F9F] =	sst lr;
	_ =	strace $0xD0000000  }
0x3: {  	_ = 	snop  }
0x4: {  	_ = 	snop  }
0x5: {  	_ = 	snop  }
0x6: {  	_ = 	snop  }
0x7: {  	_ = 	snop  }
__scs_overlays_trampoline_lowered:
0x8: {  	[smem:$0x3FAE] =	sst s0  }
0x9: {  	[smem:$0x3FAF] =	sst s1  }
0xa: {  	[smem:$0x3FB0] =	sst s2  }
0xb: {  	[smem:$0x3FB1] =	sst s3  }
0xc: {  	[smem:$0x3FB2] =	sst s4  }
0xd: {  	[smem:$0x3FB3] =	sst s5  }
0xe: {  	[smem:$0x3FB4] =	sst s6  }
0xf: {  	[smem:$0x3FB5] =	sst s7  }
0x10: {  	[smem:$0x3FB6] =	sst s8  }
0x11: {  	[smem:$0x3FB7] =	sst s9;
	s0 =	simm.s32 @!p0 $0x0  }
0x12: {  	s1 =	sld [smem:$0x3F9D];
	s0 =	simm.s32 @p0 $0x1  }
0x13: {  	[smem:$0x3FB8] =	sst s0;
	s0 =	simm.s32 @!p1 $0x0  }
0x14: {  	s2 =	sld [smem:$0x3F9C];
	s0 =	simm.s32 @p1 $0x1  }
0x15: {  	[smem:$0x3FB9] =	sst s0;
	s0 =	simm.s32 @!p2 $0x0  }
0x16: {  	s3 =	sld [smem:$0x3FDB];
	s0 =	simm.s32 @p2 $0x1  }
0x17: {  	s4 =	simm.s32 $0x1BF5;
	[smem:$0x3FBB] =	sst s0  }
0x18: {  	s0 =	sld [smem:$0x3F9E];
	_ =	swait.ge [sflag:s4], $0x0  }
0x19: {  	s7 =	sld [smem:$0x3F9F]  }
0x1a: {  	s8 =	sadd.s32 $0xFFFFE003, lr  }
0x1b: {  	s9 =	sadd.s32 $0xFFFFFEF7, lr;
	s5 =	simm.s32 $0xFFFFFFFF;
	p2 =	slt.u32 s8, $0xFFFFF086  }
0x1c: {  	p1 =	slt.u32 s9, $0xF7A;
	s5 =	simm.s32 @!p2 $0x0  }
0x1d: {  	s5 =	simm.s32 @p1 $0x1;
	p0 =	seq.s32 s7, s2  }
0x1e: {  	s7 =	smul.u32 @!p0 $0xF7A, s2;
	p2 =	seq.s32 @!p0 s5, $0x0  }
0x1f: {  	s9 =	smul.u32 $0xF7A, s1;
	s8 =	simm.s32 @!p0 $0x1BF5;
	p2 =	por !p2, p0  }
0x20: {  	[sflag:s8] =	ssyncset.s32 @!p0 $0xFFFFF086;
	s6 =	sadd.s32 @!p0 s3, s7;
	s7 =	simm.s32 @!p0 $0x108  }
0x21: {  	s3 =	sadd.s32 s3, s9;
	s6 =	sadd.s32 @!p0 $0x88, s6;
	s7 =	simm.s32 @p2 $0x1082  }
0x22: {  	[simem:s7], [sflag:s8] =	dma.local @!p0 [hbm:s6], $0xF7A  }
0x23: {  	s9 =	sor.u32 $0xD0000000, s2;
	s6 =	simm.s32 $0x108;
	_ =	swait.ge @!p0 [sflag:s8], $0x0  }
0x24: {  	s3 =	sadd.s32 $0x88, s3;
	s6 =	simm.s32 @!p1 $0x1082;
	[sflag:s4] =	ssyncset.s32 $0xFFFFF086  }
0x25: {  	[simem:s6], [sflag:s4] =	dma.local [hbm:s3], $0xF7A  }
0x26: {  	[smem:$0x3F9F] =	sst s1;
	(tag) =	ssettag s2;
	_ =	strace s9  }
0x27: {  	s1 =	sld [smem:$0x3FAF]  }
0x28: {  	s2 =	sld [smem:$0x3FB0]  }
0x29: {  	s4 =	sld [smem:$0x3FB2]  }
0x2a: {  	p0 =	seq.s32 s5, $0x0;
	s5 =	sld [smem:$0x3FB3]  }
0x2b: {  	s6 =	sld [smem:$0x3FB4]  }
0x2c: {  	s7 =	sld [smem:$0x3FB5]  }
0x2d: {  	s3 =	simm.s32 $0x108;
	s8 =	sld [smem:$0x3FB6]  }
0x2e: {  	s3 =	simm.s32 @!p0 $0x1082;
	s9 =	sld [smem:$0x3FB7]  }
0x2f: {  	lr =	sadd.s32 s0, s3;
	s0 =	sld [smem:$0x3FAE]  }
0x30: {  	s3 =	sld [smem:$0x3FB1]  }
0x31: {  	[smem:$0x3FBA] =	sst s10  }
0x32: {  	s10 =	sld [smem:$0x3FB8];
	_ =	sdelay $0x3  }
0x33: {  	p0 =	seq.s32 s10, $0x1;
	s10 =	sld [smem:$0x3FBA];
	_ =	sdelay $0x3  }
0x34: {  	[smem:$0x3FBA] =	sst s10  }
0x35: {  	s10 =	sld [smem:$0x3FB9];
	_ =	sdelay $0x3  }
0x36: {  	p1 =	seq.s32 s10, $0x1;
	s10 =	sld [smem:$0x3FBA];
	_ =	sdelay $0x3  }
0x37: {  	[smem:$0x3FBA] =	sst s10  }
0x38: {  	s10 =	sld [smem:$0x3FBB]  }
0x39: {  	_ = 	snop;
	(pc) =	sbr.ind lr, $3  }
0x3a: {  	_ = 	snop  }
0x3b: {  	_ = 	snop  }
0x3c: {  	p2 =	seq.s32 s10, $0x1;
	s10 =	sld [smem:$0x3FBA]  }
0x3d: {  	_ =	shalt  }
0x3e: {  	_ =	shalt  }
0x3f: {  	_ =	shalt  }
0x40: {  	_ =	shalt  }
0x41: {  	_ =	shalt  }
0x42: {  	_ =	shalt  }
0x43: {  	_ =	shalt  }
0x44: {  	_ =	shalt  }
0x45: {  	_ =	shalt  }
0x46: {  	_ =	shalt  }
0x47: {  	_ =	shalt  }
0x48: {  	_ =	shalt  }
0x49: {  	_ =	shalt  }
0x4a: {  	_ =	shalt  }
0x4b: {  	_ =	shalt  }
0x4c: {  	_ =	shalt  }
0x4d: {  	_ =	shalt  }
0x4e: {  	_ =	shalt  }
0x4f: {  	_ =	shalt  }
0x50: {  	_ =	shalt  }
0x51: {  	_ =	shalt  }
0x52: {  	_ =	shalt  }
0x53: {  	_ =	shalt  }
0x54: {  	_ =	shalt  }
0x55: {  	_ =	shalt  }
0x56: {  	_ =	shalt  }
0x57: {  	_ =	shalt  }
0x58: {  	_ =	shalt  }
0x59: {  	_ =	shalt  }
0x5a: {  	_ =	shalt  }
0x5b: {  	_ =	shalt  }
0x5c: {  	_ =	shalt  }
0x5d: {  	_ =	shalt  }
0x5e: {  	_ =	shalt  }
0x5f: {  	_ =	shalt  }
0x60: {  	_ =	shalt  }
0x61: {  	_ =	shalt  }
0x62: {  	_ =	shalt  }
0x63: {  	_ =	shalt  }
0x64: {  	_ =	shalt  }
0x65: {  	_ =	shalt  }
0x66: {  	_ =	shalt  }
0x67: {  	_ =	shalt  }
0x68: {  	_ =	shalt  }
0x69: {  	_ =	shalt  }
0x6a: {  	_ =	shalt  }
0x6b: {  	_ =	shalt  }
0x6c: {  	_ =	shalt  }
0x6d: {  	_ =	shalt  }
0x6e: {  	_ =	shalt  }
0x6f: {  	_ =	shalt  }
0x70: {  	_ =	shalt  }
0x71: {  	_ =	shalt  }
0x72: {  	_ =	shalt  }
0x73: {  	_ =	shalt  }
0x74: {  	_ =	shalt  }
0x75: {  	_ =	shalt  }
0x76: {  	_ =	shalt  }
0x77: {  	_ =	shalt  }
0x78: {  	_ =	shalt  }
0x79: {  	_ =	shalt  }
0x7a: {  	_ =	shalt  }
0x7b: {  	_ =	shalt  }
0x7c: {  	_ =	shalt  }
0x7d: {  	_ =	shalt  }
0x7e: {  	_ =	shalt  }
0x7f: {  	_ =	shalt  }
0x80: {  	_ =	shalt  }
0x81: {  	_ =	shalt  }
0x82: {  	_ =	shalt  }
0x83: {  	_ =	shalt  }
0x84: {  	_ =	shalt  }
0x85: {  	_ =	shalt  }
0x86: {  	_ =	shalt  }
0x87: {  	_ =	shalt  }
.Lfunc_end0:
.L_simem_size_0:
called_computation_lowered:
.L_overlay_start_0:
0x88: {  	s2 =	sld [smem:$0x3FD9]  }
0x89: {  	s3 =	sld [smem:$0x3FFE];
	_ =	sdelay $0x1  }
0x8a: {  	s1 =	srdreg.scid  }
0x8b: {  	s0 =	sand.u32 $0x1, s1  }
0x8c: {  	s17 =	sshll.u32 s0, $0xA;
	s2 =	sadd.s32 s3, s2  }
0x8d: {  	s2 =	sadd.s32 s2, s17  }
0x8e: {  	[smem:$0x3FC6] =	sst s2  }
0x8f: {  	_ = 	snop  }
0x90: {  	s2 =	sld [smem:$0x3FC8];
	(tm) =	ssettm $0x1  }
0x91: {  	s18 =	sld [smem:$0x3FFB];
	_ =	sdelay $0x3  }
0x92: {  	_ =	strace s18  }
0x93: {  	s3 =	sld [smem:$0x3FFC];
	_ =	sdelay $0x3  }
0x94: {  	_ =	strace s3  }
0x95: {  	s3 =	sld [smem:$0x3FFD];
	_ =	sdelay $0x3  }
0x96: {  	_ =	strace s3  }
0x97: {  	_ =	strace $0x8FFFFFFF  }
0x98: {  	s19 =	sld [smem:$0x3FDB];
	_ =	sdelay $0x1  }
0x99: {  	s4 =	simm.s32 $_scs_section_size  }
0x9a: {  	s5 =	simm.s32 $_size__tile_overlayer_lowered;
	s6 =	simm.s32 $_tile_overlayer_lowered  }
0x9b: {  	s22 =	simm.s32 $0x1BFF;
	s21 =	sshll.u32 s6, $0x1;
	s3 =	sadd.s32 s4, s19  }
0x9c: {  	s7 =	simm.s32 $0x0;
	s20 =	sshll.u32 s5, $0x1;
	s5 =	sadd.s32 s21, s3  }
0x9d: {  	[timem:s7], [sflag:s22] =	dma.local [hbm:s5], s20  }
0x9e: {  	_ =	swait.ge [sflag:s22], s20  }
0x9f: {  	s4 =	ssub.s32 $0x0, s20;
	[sflag:s22] =	ssyncset.done $0x0  }
0xa0: {  	[sflag:s22] =	ssyncadd.s32 s4;
	_ =	sdelay $0x1  }
0xa1: {  	s23 =	simm.s32 $0x1B8B  }
0xa2: {  	_ =	swait.ge [sflag:s23], $0x1  }
0xa3: {  	[sflag:s23] =	ssyncset.done $0x0  }
0xa4: {  	s25 =	simm.s32 $0x1B8E;
	s24 =	sld [smem:$0x3FFE];
	[sflag:s23] =	ssyncadd.s32 $0xFFFFFFFF  }
0xa5: {  	s26 =	simm.s32 $execute0_lowered;
	[smem:$0x3FD2] =	sst s25  }
0xa6: {  	s5 =	sshll.u32 s26, $0x1;
	_ =	strace $0x80000046;
	[dreg:$0x1] =	wrdreg $0xFFFFFFFF  }
0xa7: {  	s28 =	simm.s32 $_size_execute0_lowered;
	s3 =	sadd.s32 s3, s5;
	[dreg:$0x0] =	wrdreg $0x0  }
0xa8: {  	s5 =	sshll.u32 s28, $0x1;
	[dreg:$0x2] =	wrdreg s3  }
0xa9: {  	[dreg:$0x3] =	wrdreg s5  }
0xaa: {  	[dreg:$0x4] =	wrdreg $0xC0  }
0xab: {  	_ =	task [dreg:s7], $0x5FFFF  }
0xac: {  	[dreg:$0x1] =	wrdreg $0xFFFFFFFF  }
0xad: {  	[dreg:$0x0] =	wrdreg $0x60  }
0xae: {  	[dreg:$0x2] =	wrdreg s2  }
0xaf: {  	[dreg:$0x3] =	wrdreg s24  }
0xb0: {  	[dreg:$0x4] =	wrdreg $0xC800  }
0xb1: {  	[dreg:$0x5] =	wrdreg $0x9  }
0xb2: {  	_ =	task.clear_ibuf [dreg:s7], $0x6FFFF;
	_ =	strace $0x90000046  }
0xb3: {  	s29 =	simm.s32 $0x9;
	_ =	strace $0x80000048  }
0xb4: {  	_ =	swait.ge [sflag:s29], $0x1  }
0xb5: {  	[sflag:s29] =	ssyncadd.s32 $0xFFFFFFFF  }
0xb6: {  	_ =	strace $0x90000048  }
0xb7: {  	_ =	sfence  }
0xb8: {  	s30 =	sld [smem:$0x0];
	_ =	sdelay $0x2  }
0xb9: {  	s31 =	sshll.u32 s1, $0xD;
	s1 =	sshrl.u32 s1, $0x2  }
0xba: {  	s3 =	sand.u32 $0x4000, s31;
	s1 =	sadd.s32 s1, s30  }
0xbb: {  	s0 =	sor.u32 s3, s0;
	s1 =	sshll.u32 s1, $0x11  }
0xbc: {  	s0 =	sor.u32 s1, s0  }
0xbd: {  	s0 =	sadd.s32 $0x8F2B, s0  }
0xbe: {  	[sflag:s0] =	ssyncadd.remote.s32 $0x1  }
0xbf: {  	_ =	sfence.sel $0xFFFF  }
0xc0: {  	[dreg:$0x0] =	wrdreg $0xFFFFFFFF;
	(pc) =	sbr.abs _section_cstart, $3  }
0xc1: {  	[dreg:$0x1] =	wrdreg $0xFFFFFFFF  }
0xc2: {  	_ =	task.clear_ibuf [dreg:s7], $0x2FFFF;
	_ =	strace $0x9FFFFFFF  }
0xc3: {  	(tm) =	ssettm $0x7FFFFFFF  }
tec
execute0_lowered:
.L_overlay_start_1:
0x0: {  	(tag) =	ssettag $0x1  }
0x1: {  	s4 =	rddreg [dreg:$0x0]  }
0x2: {  	s3 =	rddreg [dreg:$0x1]  }
0x3: {  	s1 =	rddreg [dreg:$0x2];
	s9 =	stileid.u32  }
0x4: {  	s0 =	rddreg [dreg:$0x3];
	s2 =	simm.s32 $0x0;
	s7 =	srdreg.scid  }
0x5: {  	s12 =	simm.s32 $0x400;
	s13 =	simm.s32 $0x100;
	s14 =	simm.s32 $0x180  }
0x6: {  	s16 =	simm.s32 $0x880;
	s17 =	simm.s32 $0x280;
	s18 =	simm.s32 $0x900  }
0x7: {  	s19 =	simm.s32 $0x300;
	s20 =	simm.s32 $0x980;
	s21 =	simm.s32 $0x380  }
0x8: {  	s22 =	simm.s32 $0xA00;
	s23 =	simm.s32 $0xA80;
	s5 =	sshll.u32 s9, $0x7  }
0x9: {  	[smem:$0x7FF] =	sst s2;
	s26 =	sand.u32 $0x1, s7;
	s11 =	sshll.u32 s9, $0x1  }
0xa: {  	p0 =	sne.s32 s9, $0x0;
	s9 =	simm.s32 $0x200;
	s6 =	sand.u32 $0x600, s5  }
0xb: {  	_ =	strace $0x80000047;
	s7 =	sshll.u32 s26, $0x4;
	s10 =	ssub.s32 $0x2, s26  }
0xc: {  	s15 =	sshrl.u32 @!p0 s1, $0x3;
	s8 =	sadd.s32 s6, s3;
	s7 =	sadd.s32 s7, s3  }
0xd: {  	s28 =	sshrl.u32 s10, $0x1;
	s6 =	sor.u32 s26, s11;
	s11 =	simm.s32 $0x80  }
0xe: {  	s10 =	ssub.s32 s10, s28;
	s29 =	sshll.u32 s6, $0x6;
	s6 =	sshll.u32 s6, $0x4  }
0xf: {  	s3 =	sadd.s32 s4, s29;
	s4 =	sadd.s32 s4, s5;
	s30 =	sand.u32 $0x70, s6  }
0x10: {  	s6 =	sadd.s32 $0x1000, s7;
	s5 =	sadd.s32 $0x40, s4;
	s31 =	sadd.s32 s30, s8  }
0x11: {  	v0 =	vimm.f32 $1.000000000e+00;
	v1 =	vimm.f32 $0.0e+00;
	s8 =	smax.u32 s10, $0x1;
	s10 =	simm.s32 $0x1;
	s7 =	sadd.s32 $0x800, s31  }
.LBB2_1:
0x12: {  	[tilespmem:$0x400] =	vst v0  }
0x13: {  	[tilespmem:$0x410] =	vst v0  }
0x14: {  	[tilespmem:$0x420] =	vst v0  }
0x15: {  	[tilespmem:$0x430] =	vst v0  }
0x16: {  	[tilespmem:$0x440] =	vst v0  }
0x17: {  	[tilespmem:$0x450] =	vst v0  }
0x18: {  	[tilespmem:$0x460] =	vst v0  }
0x19: {  	[tilespmem:$0x470] =	vst v0  }
0x1a: {  	[tilespmem:$0x480] =	vst v1  }
0x1b: {  	[tilespmem:$0x490] =	vst v1  }
0x1c: {  	[tilespmem:$0x4A0] =	vst v1  }
0x1d: {  	[tilespmem:$0x4B0] =	vst v1  }
0x1e: {  	[tilespmem:$0x4C0] =	vst v1  }
0x1f: {  	[tilespmem:$0x4D0] =	vst v1  }
0x20: {  	[tilespmem:$0x4E0] =	vst v1  }
0x21: {  	[tilespmem:$0x4F0] =	vst v1  }
0x22: {  	[tilespmem:$0x500] =	vst v1  }
0x23: {  	[tilespmem:$0x510] =	vst v1  }
0x24: {  	[tilespmem:$0x520] =	vst v1  }
0x25: {  	[tilespmem:$0x530] =	vst v1  }
0x26: {  	[tilespmem:$0x540] =	vst v1  }
0x27: {  	[tilespmem:$0x550] =	vst v1  }
0x28: {  	[tilespmem:$0x560] =	vst v1  }
0x29: {  	[tilespmem:$0x570] =	vst v1  }
0x2a: {  	[tilespmem:$0x580] =	vst v1  }
0x2b: {  	[tilespmem:$0x590] =	vst v1  }
0x2c: {  	[tilespmem:$0x5A0] =	vst v1  }
0x2d: {  	[tilespmem:$0x5B0] =	vst v1  }
0x2e: {  	[tilespmem:$0x5C0] =	vst v1  }
0x2f: {  	[tilespmem:$0x5D0] =	vst v1  }
0x30: {  	[tilespmem:$0x5E0] =	vst v1  }
0x31: {  	[tilespmem:$0x5F0] =	vst v1  }
0x32: {  	[tilespmem:$0x600] =	vst v1  }
0x33: {  	[tilespmem:$0x610] =	vst v1  }
0x34: {  	[tilespmem:$0x620] =	vst v1  }
0x35: {  	[tilespmem:$0x630] =	vst v1  }
0x36: {  	[tilespmem:$0x640] =	vst v1  }
0x37: {  	[tilespmem:$0x650] =	vst v1  }
0x38: {  	[tilespmem:$0x660] =	vst v1  }
0x39: {  	[tilespmem:$0x670] =	vst v1  }
0x3a: {  	[tilespmem:$0x680] =	vst v1  }
0x3b: {  	[tilespmem:$0x690] =	vst v1  }
0x3c: {  	[tilespmem:$0x6A0] =	vst v1  }
0x3d: {  	[tilespmem:$0x6B0] =	vst v1  }
0x3e: {  	[tilespmem:$0x6C0] =	vst v1  }
0x3f: {  	[tilespmem:$0x6D0] =	vst v1  }
0x40: {  	[tilespmem:$0x6E0] =	vst v1  }
0x41: {  	[tilespmem:$0x6F0] =	vst v1  }
0x42: {  	[tilespmem:$0x700] =	vst v1  }
0x43: {  	[tilespmem:$0x710] =	vst v1  }
0x44: {  	[tilespmem:$0x720] =	vst v1  }
0x45: {  	[tilespmem:$0x730] =	vst v1  }
0x46: {  	[tilespmem:$0x740] =	vst v1  }
0x47: {  	[tilespmem:$0x750] =	vst v1  }
0x48: {  	[tilespmem:$0x760] =	vst v1  }
0x49: {  	[tilespmem:$0x770] =	vst v1  }
0x4a: {  	[tilespmem:$0x780] =	vst v1  }
0x4b: {  	[tilespmem:$0x790] =	vst v1  }
0x4c: {  	[tilespmem:$0x7A0] =	vst v1  }
0x4d: {  	[tilespmem:$0x7B0] =	vst v1  }
0x4e: {  	[tilespmem:$0x7C0] =	vst v1  }
0x4f: {  	[tilespmem:$0x7D0] =	vst v1  }
0x50: {  	[tilespmem:$0x7E0] =	vst v1  }
0x51: {  	[tilespmem:$0x7F0] =	vst v1  }
0x52: {  	[tilespmem:$0x800] =	vst v1  }
0x53: {  	[tilespmem:$0x810] =	vst v1  }
0x54: {  	[tilespmem:$0x820] =	vst v1  }
0x55: {  	[tilespmem:$0x830] =	vst v1  }
0x56: {  	[tilespmem:$0x840] =	vst v1  }
0x57: {  	[tilespmem:$0x850] =	vst v1  }
0x58: {  	[tilespmem:$0x860] =	vst v1  }
0x59: {  	[tilespmem:$0x870] =	vst v1  }
0x5a: {  	[tilespmem:s9], [sflag:$0x1] =	stream.linear.gather [hbm4b:s3+s2], $0x200, $0x38;
	[tilespmem:$0xCC0] =	vst v63  }
0x5b: {  	_ =	swait.ge [sflag:s10], $0x200  }
0x5c: {  	[sflag:s10] =	ssyncset.done $0x0  }
0x5d: {  	s24 =	simm.s32 @!p0 $0x480;
	[sflag:s10] =	ssyncadd.s32 $0xFFFFFE00  }
0x5e: {  	[spmem:s1] =	stream.linear.scatter @!p0 [tilespmem:s24], [sflag:$0x1], $0x400, $0x38;
	[tilespmem:$0xCC0] =	vst v63  }
0x5f: {  	s24 =	simm.s32 @!p0 $0x1  }
0x60: {  	_ =	swait.ge @!p0 [sflag:s24], $0x400  }
0x61: {  	[sflag:s24] =	ssyncset.done @!p0 $0x0  }
0x62: {  	[sflag:s24] =	ssyncadd.s32 @!p0 $0xFFFFFC00  }
0x63: {  	[bflag:$0x0] =	sbarrier.arrive $0xFFFF  }
0x64: {  	[tilespmem:s2], [sflag:$0x1] =	stream.linear.gather [hbm4b:s4+s2], $0x200, $0x38;
	[tilespmem:$0xCC0] =	vst v63  }
0x65: {  	_ =	swait.ge [sflag:s10], $0x200  }
0x66: {  	[sflag:s10] =	ssyncset.done $0x0  }
0x67: {  	[sflag:s10] =	ssyncadd.s32 $0xFFFFFE00  }
0x68: {  	[spmem:s1] =	stream.indirect.scatter.add.f32 [tilespmem:s12], [sflag:$0x1], $0x1, s2, s11, $0xb8;
	[tilespmem:$0xCC0] =	vst v63  }
0x69: {  	_ =	swait.ge [sflag:s10], $0x80  }
0x6a: {  	[sflag:s10] =	ssyncset.done $0x0  }
0x6b: {  	[sflag:s10] =	ssyncadd.s32 $0xFFFFFF80  }
0x6c: {  	[spmem:s1] =	stream.indirect.scatter.add.f32 [tilespmem:s12], [sflag:$0x1], $0x1, s11, s11, $0xb8;
	[tilespmem:$0xCC0] =	vst v63  }
0x6d: {  	_ =	swait.ge [sflag:s10], $0x80  }
0x6e: {  	[sflag:s10] =	ssyncset.done $0x0  }
0x6f: {  	[sflag:s10] =	ssyncadd.s32 $0xFFFFFF80  }
0x70: {  	[spmem:s1] =	stream.indirect.scatter.add.f32 [tilespmem:s12], [sflag:$0x1], $0x1, s13, s11, $0xb8;
	[tilespmem:$0xCC0] =	vst v63  }
0x71: {  	_ =	swait.ge [sflag:s10], $0x80  }
0x72: {  	[sflag:s10] =	ssyncset.done $0x0  }
0x73: {  	[sflag:s10] =	ssyncadd.s32 $0xFFFFFF80  }
0x74: {  	[spmem:s1] =	stream.indirect.scatter.add.f32 [tilespmem:s12], [sflag:$0x1], $0x1, s14, s11, $0xb8;
	[tilespmem:$0xCC0] =	vst v63  }
0x75: {  	_ =	swait.ge [sflag:s10], $0x80  }
0x76: {  	[sflag:s10] =	ssyncset.done $0x0  }
0x77: {  	[sflag:s10] =	ssyncadd.s32 $0xFFFFFF80  }
0x78: {  	[tilespmem:s2], [sflag:$0x1] =	stream.linear.gather [hbm4b:s5+s2], $0x200, $0x38;
	[tilespmem:$0xCC0] =	vst v63  }
0x79: {  	_ =	swait.ge [sflag:s10], $0x200  }
0x7a: {  	[sflag:s10] =	ssyncset.done $0x0  }
0x7b: {  	[sflag:s10] =	ssyncadd.s32 $0xFFFFFE00  }
0x7c: {  	[spmem:s1] =	stream.indirect.scatter.add.f32 [tilespmem:s12], [sflag:$0x1], $0x1, s2, s11, $0xb8;
	[tilespmem:$0xCC0] =	vst v63  }
0x7d: {  	_ =	swait.ge [sflag:s10], $0x80  }
0x7e: {  	[sflag:s10] =	ssyncset.done $0x0  }
0x7f: {  	[sflag:s10] =	ssyncadd.s32 $0xFFFFFF80  }
0x80: {  	[spmem:s1] =	stream.indirect.scatter.add.f32 [tilespmem:s12], [sflag:$0x1], $0x1, s11, s11, $0xb8;
	[tilespmem:$0xCC0] =	vst v63  }
0x81: {  	_ =	swait.ge [sflag:s10], $0x80  }
0x82: {  	[sflag:s10] =	ssyncset.done $0x0  }
0x83: {  	[sflag:s10] =	ssyncadd.s32 $0xFFFFFF80  }
0x84: {  	[spmem:s1] =	stream.indirect.scatter.add.f32 [tilespmem:s12], [sflag:$0x1], $0x1, s13, s11, $0xb8;
	[tilespmem:$0xCC0] =	vst v63  }
0x85: {  	_ =	swait.ge [sflag:s10], $0x80  }
0x86: {  	[sflag:s10] =	ssyncset.done $0x0  }
0x87: {  	[sflag:s10] =	ssyncadd.s32 $0xFFFFFF80  }
0x88: {  	[spmem:s1] =	stream.indirect.scatter.add.f32 [tilespmem:s12], [sflag:$0x1], $0x1, s14, s11, $0xb8;
	[tilespmem:$0xCC0] =	vst v63  }
0x89: {  	_ =	swait.ge [sflag:s10], $0x80  }
0x8a: {  	[sflag:s10] =	ssyncset.done $0x0  }
0x8b: {  	s25 =	simm.s32 @!p0 $0x20;
	[sflag:s10] =	ssyncadd.s32 $0xFFFFFF80  }
0x8c: {  	s26 =	simm.s32 @!p0 $0x10;
	s28 =	simm.s32 @!p0 $0x1C01;
	[bflag:$0x0] =	sbarrier.arrive $0xFFFF  }
0x8d: {  	[hbm:s6@s25], [sflag:s28] =	dma.strided @!p0 [spmem:s15@s26], $0x80, s24, $0x10   }
0x8e: {  	_ =	swait.ge @!p0 [sflag:s24], $0x80  }
0x8f: {  	[sflag:s24] =	ssyncset.done @!p0 $0x0  }
0x90: {  	[sflag:s24] =	ssyncadd.s32 @!p0 $0xFFFFFF80  }
0x91: {  	[bflag:$0x0] =	sbarrier.arrive $0xFFFF  }
0x92: {  	[tilespmem:s16], [sflag:$0x1] =	stream.indirect.gather [spmem:s1], $0x1, s9, s11, $0xb8;
	[tilespmem:$0xCC0] =	vst v63  }
0x93: {  	_ =	swait.ge [sflag:s10], $0x80  }
0x94: {  	[sflag:s10] =	ssyncset.done $0x0  }
0x95: {  	[sflag:s10] =	ssyncadd.s32 $0xFFFFFF80  }
0x96: {  	[tilespmem:s18], [sflag:$0x1] =	stream.indirect.gather [spmem:s1], $0x1, s17, s11, $0xb8;
	[tilespmem:$0xCC0] =	vst v63  }
0x97: {  	_ =	swait.ge [sflag:s10], $0x80  }
0x98: {  	[sflag:s10] =	ssyncset.done $0x0  }
0x99: {  	[sflag:s10] =	ssyncadd.s32 $0xFFFFFF80  }
0x9a: {  	[tilespmem:s20], [sflag:$0x1] =	stream.indirect.gather [spmem:s1], $0x1, s19, s11, $0xb8;
	[tilespmem:$0xCC0] =	vst v63  }
0x9b: {  	_ =	swait.ge [sflag:s10], $0x80  }
0x9c: {  	[sflag:s10] =	ssyncset.done $0x0  }
0x9d: {  	[sflag:s10] =	ssyncadd.s32 $0xFFFFFF80  }
0x9e: {  	[tilespmem:s22], [sflag:$0x1] =	stream.indirect.gather [spmem:s1], $0x1, s21, s11, $0xb8;
	[tilespmem:$0xCC0] =	vst v63  }
0x9f: {  	_ =	swait.ge [sflag:s10], $0x80  }
0xa0: {  	[sflag:s10] =	ssyncset.done $0x0  }
0xa1: {  	[sflag:s10] =	ssyncadd.s32 $0xFFFFFF80  }
0xa2: {  	v2 =	vld [tilespmem:$0x880]  }
0xa3: {  	v3 =	vld [tilespmem:$0x890]  }
0xa4: {  	v4 =	vld [tilespmem:$0x8A0]  }
0xa5: {  	v5 =	vld [tilespmem:$0x8B0]  }
0xa6: {  	v6 =	vld [tilespmem:$0x8C0]  }
0xa7: {  	v7 =	vld [tilespmem:$0x8D0];
	v2 =	vmul.f32 $6.103515630e-05, v2  }
0xa8: {  	v8 =	vld [tilespmem:$0x8E0];
	v3 =	vmul.f32 $6.103515630e-05, v3  }
0xa9: {  	v9 =	vld [tilespmem:$0x8F0];
	v4 =	vmul.f32 $6.103515630e-05, v4;
	v2 =	vadd.f32 $9.999999740e-06, v2  }
0xaa: {  	v10 =	vld [tilespmem:$0x900];
	v5 =	vmul.f32 $6.103515630e-05, v5;
	v3 =	vadd.f32 $9.999999740e-06, v3  }
0xab: {  	v45 =	vld [tilespmem:$0x910];
	v44 =	vmul.f32 $6.103515630e-05, v6;
	(erf) = vrcp.f32 v2;
	v2 =	vadd.f32 $9.999999740e-06, v4  }
0xac: {  	v47 =	vld [tilespmem:$0x920];
	v46 =	vmul.f32 $6.103515630e-05, v7;
	(erf) = vrcp.f32 v3;
	v3 =	vadd.f32 $9.999999740e-06, v5  }
0xad: {  	v49 =	vld [tilespmem:$0x930];
	v48 =	vmul.f32 $6.103515630e-05, v8;
	(erf) = vrcp.f32 v2;
	v2 =	vadd.f32 $9.999999740e-06, v44  }
0xae: {  	v51 =	vld [tilespmem:$0x940];
	v50 =	vmul.f32 $6.103515630e-05, v9;
	(erf) = vrcp.f32 v3;
	v3 =	vadd.f32 $9.999999740e-06, v46  }
0xaf: {  	v53 =	vld [tilespmem:$0x950];
	v52 =	vmul.f32 $6.103515630e-05, v10;
	(erf) = vrcp.f32 v2;
	v2 =	vadd.f32 $9.999999740e-06, v48  }
0xb0: {  	v55 =	vld [tilespmem:$0x960];
	v54 =	vmul.f32 $6.103515630e-05, v45;
	(erf) = vrcp.f32 v3;
	v3 =	vadd.f32 $9.999999740e-06, v50  }
0xb1: {  	v57 =	vld [tilespmem:$0x970];
	v56 =	vmul.f32 $6.103515630e-05, v47;
	(erf) = vrcp.f32 v2;
	v2 =	vadd.f32 $9.999999740e-06, v52  }
0xb2: {  	v59 =	vld [tilespmem:$0x980];
	v58 =	vmul.f32 $6.103515630e-05, v49;
	(erf) = vrcp.f32 v3;
	v3 =	vadd.f32 $9.999999740e-06, v54  }
0xb3: {  	v61 =	vld [tilespmem:$0x990];
	v60 =	vmul.f32 $6.103515630e-05, v51;
	(erf) = vrcp.f32 v2;
	v2 =	vadd.f32 $9.999999740e-06, v56  }
0xb4: {  	v63 =	vld [tilespmem:$0x9A0];
	v62 =	vmul.f32 $6.103515630e-05, v53;
	v11 =	vpop (erf);
	(erf) = vrcp.f32 v3;
	v3 =	vadd.f32 $9.999999740e-06, v58  }
0xb5: {  	v14 =	vld [tilespmem:$0x9B0];
	v13 =	vmul.f32 $6.103515630e-05, v55;
	v12 =	vpop (erf);
	(erf) = vrcp.f32 v2;
	v2 =	vadd.f32 $9.999999740e-06, v60  }
0xb6: {  	v17 =	vld [tilespmem:$0x9C0];
	v16 =	vmul.f32 $6.103515630e-05, v57;
	[tilespmem:$0xA80] =	vst v11;
	v15 =	vpop (erf);
	(erf) = vrcp.f32 v3;
	v3 =	vadd.f32 $9.999999740e-06, v62  }
0xb7: {  	v20 =	vld [tilespmem:$0x9D0];
	v19 =	vmul.f32 $6.103515630e-05, v59;
	[tilespmem:$0xA90] =	vst v12;
	v18 =	vpop (erf);
	(erf) = vrcp.f32 v2;
	v2 =	vadd.f32 $9.999999740e-06, v13  }
0xb8: {  	v23 =	vld [tilespmem:$0x9E0];
	v22 =	vmul.f32 $6.103515630e-05, v61;
	[tilespmem:$0xAA0] =	vst v15;
	v21 =	vpop (erf);
	(erf) = vrcp.f32 v3;
	v3 =	vadd.f32 $9.999999740e-06, v16  }
0xb9: {  	v26 =	vld [tilespmem:$0x9F0];
	v25 =	vmul.f32 $6.103515630e-05, v63;
	[tilespmem:$0xAB0] =	vst v18;
	v24 =	vpop (erf);
	(erf) = vrcp.f32 v2;
	v2 =	vadd.f32 $9.999999740e-06, v19  }
0xba: {  	v29 =	vld [tilespmem:$0xA00];
	v28 =	vmul.f32 $6.103515630e-05, v14;
	[tilespmem:$0xAC0] =	vst v21;
	v27 =	vpop (erf);
	(erf) = vrcp.f32 v3;
	v3 =	vadd.f32 $9.999999740e-06, v22  }
0xbb: {  	v32 =	vld [tilespmem:$0xA10];
	v31 =	vmul.f32 $6.103515630e-05, v17;
	[tilespmem:$0xAD0] =	vst v24;
	v30 =	vpop (erf);
	(erf) = vrcp.f32 v2;
	v2 =	vadd.f32 $9.999999740e-06, v25  }
0xbc: {  	v35 =	vld [tilespmem:$0xA20];
	v34 =	vmul.f32 $6.103515630e-05, v20;
	[tilespmem:$0xAE0] =	vst v27;
	v33 =	vpop (erf);
	(erf) = vrcp.f32 v3;
	v3 =	vadd.f32 $9.999999740e-06, v28  }
0xbd: {  	v38 =	vld [tilespmem:$0xA30];
	v37 =	vmul.f32 $6.103515630e-05, v23;
	[tilespmem:$0xAF0] =	vst v30;
	v36 =	vpop (erf);
	(erf) = vrcp.f32 v2;
	v2 =	vadd.f32 $9.999999740e-06, v31  }
0xbe: {  	v41 =	vld [tilespmem:$0xA40];
	v40 =	vmul.f32 $6.103515630e-05, v26;
	[tilespmem:$0xB00] =	vst v33;
	v39 =	vpop (erf);
	(erf) = vrcp.f32 v3;
	v3 =	vadd.f32 $9.999999740e-06, v34  }
0xbf: {  	v43 =	vmul.f32 $6.103515630e-05, v29;
	v44 =	vld [tilespmem:$0xA50];
	[tilespmem:$0xB10] =	vst v36;
	v42 =	vpop (erf);
	(erf) = vrcp.f32 v2;
	v2 =	vadd.f32 $9.999999740e-06, v37  }
0xc0: {  	v47 =	vld [tilespmem:$0xA60];
	v46 =	vmul.f32 $6.103515630e-05, v32;
	[tilespmem:$0xB20] =	vst v39;
	v45 =	vpop (erf);
	(erf) = vrcp.f32 v3;
	v3 =	vadd.f32 $9.999999740e-06, v40  }
0xc1: {  	v49 =	vmul.f32 $6.103515630e-05, v35;
	v50 =	vld [tilespmem:$0xA70];
	[tilespmem:$0xB30] =	vst v42;
	v48 =	vpop (erf);
	(erf) = vrcp.f32 v2;
	v2 =	vadd.f32 $9.999999740e-06, v43  }
0xc2: {  	v52 =	vmul.f32 $6.103515630e-05, v38;
	[tilespmem:$0xB40] =	vst v45;
	v51 =	vpop (erf);
	(erf) = vrcp.f32 v3;
	v3 =	vadd.f32 $9.999999740e-06, v46  }
0xc3: {  	v54 =	vmul.f32 $6.103515630e-05, v41;
	[tilespmem:$0xB50] =	vst v48;
	v53 =	vpop (erf);
	(erf) = vrcp.f32 v2;
	v2 =	vadd.f32 $9.999999740e-06, v49  }
0xc4: {  	v56 =	vmul.f32 $6.103515630e-05, v44;
	[tilespmem:$0xB60] =	vst v51;
	v55 =	vpop (erf);
	(erf) = vrcp.f32 v3;
	v3 =	vadd.f32 $9.999999740e-06, v52  }
0xc5: {  	v58 =	vmul.f32 $6.103515630e-05, v47;
	[tilespmem:$0xB70] =	vst v53;
	v57 =	vpop (erf);
	(erf) = vrcp.f32 v2;
	v2 =	vadd.f32 $9.999999740e-06, v54  }
0xc6: {  	v60 =	vmul.f32 $6.103515630e-05, v50;
	[tilespmem:$0xB80] =	vst v55;
	v59 =	vpop (erf);
	(erf) = vrcp.f32 v3;
	v3 =	vadd.f32 $9.999999740e-06, v56  }
0xc7: {  	[tilespmem:$0xB90] =	vst v57;
	v61 =	vpop (erf);
	(erf) = vrcp.f32 v2;
	v2 =	vadd.f32 $9.999999740e-06, v58  }
0xc8: {  	[tilespmem:$0xBA0] =	vst v59;
	v62 =	vpop (erf);
	(erf) = vrcp.f32 v3;
	v3 =	vadd.f32 $9.999999740e-06, v60  }
0xc9: {  	[tilespmem:$0xBB0] =	vst v61  }
0xca: {  	[tilespmem:$0xBC0] =	vst v62;
	v63 =	vpop (erf);
	(erf) = vrcp.f32 v2  }
0xcb: {  	[tilespmem:$0xBD0] =	vst v63;
	v2 =	vpop (erf);
	(erf) = vrcp.f32 v3  }
0xcc: {  	v3 =	vpop (erf);
	[tilespmem:$0xBE0] =	vst v2  }
0xcd: {  	v2 =	vpop (erf);
	[tilespmem:$0xBF0] =	vst v3  }
0xce: {  	v3 =	vpop (erf);
	[tilespmem:$0xC00] =	vst v2  }
0xcf: {  	v2 =	vpop (erf);
	[tilespmem:$0xC10] =	vst v3  }
0xd0: {  	v3 =	vpop (erf);
	[tilespmem:$0xC20] =	vst v2  }
0xd1: {  	v2 =	vpop (erf);
	[tilespmem:$0xC30] =	vst v3  }
0xd2: {  	v3 =	vpop (erf);
	[tilespmem:$0xC40] =	vst v2  }
0xd3: {  	s8 =	sadd.s32 $0xFFFFFFFF, s8;
	v2 =	vpop (erf);
	[tilespmem:$0xC50] =	vst v3  }
0xd4: {  	p1 =	sne.s32 s8, $0x0;
	[tilespmem:$0xC60] =	vst v2;
	v2 =	vpop (erf)  }
.Ltmp0:
0xd5: {  	[tilespmem:$0xC70] =	vst v2;
	(pc) =	sbr.rel @p1 .LBB2_1-.Ltmp0, $4  }
0xd6: {  	[hbm4b:s7+s11] =	stream.strided.scatter [tilespmem:s23], [sflag:$0x1], $0x200, s12, s11, $0x38;
	[tilespmem:$0xCC0] =	vst v63  }
0xd7: {  	_ =	swait.ge [sflag:s10], $0x200  }
0xd8: {  	[sflag:s10] =	ssyncset.done $0x0  }
0xd9: {  	[sflag:s10] =	ssyncadd.s32 $0xFFFFFE00  }
0xda: {  	_ =	sfence.sel $0x180000  }
0xdb: {  	[bflag:$0x0] =	sbarrier.arrive $0xFFFF  }
0xdc: {  	_ =	strace $0x90000047  }
0xdd: {  	s0 =	sadd.s32 @!p0 $0x100000, s0;
	[bflag:$0x2] =	sbarrier.arrive $0xFFFF  }
0xde: {  	[sflag:s0] =	ssyncadd.tile.s32 @!p0 $0x1;
	_ =	shalt  }
.Lfunc_end2:
_tile_overlayer_lowered:
.L_overlay_start_2:
0xdf: {  	(tag) =	ssettag $0x2  }
0xe0: {  	s0 =	rddreg [dreg:$0x0];
	s2 =	stileid.u32  }
0xe1: {  	s1 =	rddreg [dreg:$0x1];
	p0 =	sne.s32 s2, $0x0  }
0xe2: {  	s3 =	rddreg [dreg:$0x2];
	[bflag:$0x3] =	sbarrier.arrive $0xFFFF;
	s2 =	simm.s32 @!p0 $0x1C01  }
0xe3: {  	[timem:s3], [sflag:s2] =	dma.local @!p0 [hbm:s0], s1  }
0xe4: {  	s0 =	simm.s32 @!p0 $0x1  }
0xe5: {  	_ =	swait.ge @!p0 [sflag:s0], s1  }
0xe6: {  	s1 =	ssub.s32 @!p0 $0x0, s1;
	[sflag:s0] =	ssyncset.done @!p0 $0x0  }
0xe7: {  	[sflag:s0] =	ssyncadd.s32 @!p0 s1  }
0xe8: {  	[bflag:$0x3] =	sbarrier.arrive $0xFFFF  }
0xe9: {  	_ =	shalt  }

</sc_bundles>
